<compile_context>
chip_gen: v7x
topology: tpu7x:2x2x1
jax: 0.10.2.dev20260603
libtpu: 0.0.44.dev20260713+nightly
codegen_flags: <defaults>
</compile_context>

<pallas_src>
import functools

import jax
import jax.numpy as jnp
from jax import lax
from jax.experimental import pallas as pl
from jax.experimental.pallas import tpu as pltpu
from jax.experimental.pallas import tpu_sc as plsc

N_NODES = 10000
N_EDGES = 320000
DIM = 128
EPS = 1e-5

NC = 2
NS = 16
NW = NC * NS

EDGES_PER_W = N_EDGES // NW
CHUNK = 80
N_CHUNKS = EDGES_PER_W // CHUNK
NBUF = 3
N_PAD = 10240
ROWS_PER_TILE = N_PAD // NS
WB_ROWS = CHUNK


def _sc_scatter_add(dst, e):
    mesh = plsc.VectorSubcoreMesh(core_axis_name="c", subcore_axis_name="s")

    @functools.partial(
        pl.kernel,
        out_type=jax.ShapeDtypeStruct((NC, N_PAD, DIM), jnp.float32),
        mesh=mesh,
        scratch_types=[
            pltpu.VMEM((N_CHUNKS, CHUNK), jnp.int32),
            pltpu.VMEM((NBUF, CHUNK, DIM), jnp.float32),
            pltpu.VMEM_SHARED((N_PAD, DIM), jnp.float32),
            pltpu.SemaphoreType.DMA((NBUF,)),
            pltpu.SemaphoreType.DMA((NBUF,)),
            pltpu.SemaphoreType.DMA,
            pltpu.SemaphoreType.DMA,
        ],
    )
    def body(dst_hbm, e_hbm, out_hbm, idx_all, rows, acc,
             sem_g, sem_s, sem_z, sem_i):
        cid = lax.axis_index("c")
        sid = lax.axis_index("s")
        wid = sid * NC + cid
        base = wid * EDGES_PER_W
        rbase = sid * ROWS_PER_TILE

        def fire_gather(ci, b):
            pltpu.async_copy(e_hbm.at[pl.ds(base + ci * CHUNK, CHUNK)],
                             rows.at[b], sem_g.at[b])

        def drain_gather(ci, b):
            pltpu.make_async_copy(e_hbm.at[pl.ds(base + ci * CHUNK, CHUNK)],
                                  rows.at[b], sem_g.at[b]).wait()

        def fire_scatter(ci, b):
            pltpu.async_copy(rows.at[b], acc.at[idx_all.at[ci]], sem_s.at[b],
                             add=True)

        def drain_scatter(ci, b):
            pltpu.make_async_copy(rows.at[b], acc.at[idx_all.at[ci]],
                                  sem_s.at[b]).wait()

        pltpu.async_copy(dst_hbm.at[wid], idx_all, sem_i)
        for c in range(1, NBUF):
            fire_gather(c, c)

        zeros16 = jnp.zeros((16,), jnp.float32)

        def zstore(i, carry):
            r = i // (DIM // 16)
            c = (i % (DIM // 16)) * 16
            rows[0, r, pl.ds(c, 16)] = zeros16
            return carry

        lax.fori_loop(0, CHUNK * (DIM // 16), zstore, 0)

        def zfire(k, carry):
            pltpu.async_copy(rows.at[0],
                             acc.at[pl.ds(rbase + k * CHUNK, CHUNK)], sem_z)
            return carry

        lax.fori_loop(0, ROWS_PER_TILE // CHUNK, zfire, 0)

        def zdrain(k, carry):
            pltpu.make_async_copy(
                rows.at[0], acc.at[pl.ds(rbase + k * CHUNK, CHUNK)],
                sem_z).wait()
            return carry

        lax.fori_loop(0, ROWS_PER_TILE // CHUNK, zdrain, 0)
        fire_gather(0, 0)
        pltpu.make_async_copy(dst_hbm.at[wid], idx_all, sem_i).wait()
        plsc.subcore_barrier()

        def step(c, b, refill):
            drain_gather(c, b)
            fire_scatter(c, b)
            b1 = (b + NBUF - 1) % NBUF
            drain_scatter(c - 1, b1)
            if refill:
                fire_gather(c + NBUF - 1, b1)

        drain_gather(0, 0)
        fire_scatter(0, 0)
        for c in range(1, NBUF):
            step(c, c, True)

        def group_body(g, carry):
            c0 = NBUF + g * NBUF
            for j in range(NBUF):
                step(c0 + j, j, True)
            return carry

        n_groups = (N_CHUNKS - NBUF - (NBUF - 1)) // NBUF
        lax.fori_loop(0, n_groups, group_body, 0)
        for c in range(NBUF + n_groups * NBUF, N_CHUNKS):
            step(c, c % NBUF, False)
        for c in range(N_CHUNKS - 1, N_CHUNKS):
            drain_scatter(c, c % NBUF)
        plsc.subcore_barrier()

        n_wb = ROWS_PER_TILE // WB_ROWS
        for k in range(n_wb):
            b = k % 2
            r = rbase + k * WB_ROWS
            if k >= 2:
                pltpu.make_async_copy(
                    rows.at[b],
                    out_hbm.at[cid, pl.ds(rbase + (k - 2) * WB_ROWS, WB_ROWS)],
                    sem_s.at[b]).wait()
            pltpu.async_copy(acc.at[pl.ds(r, WB_ROWS)], rows.at[b],
                             sem_g.at[b])
            pltpu.make_async_copy(acc.at[pl.ds(r, WB_ROWS)], rows.at[b],
                                  sem_g.at[b]).wait()
            pltpu.async_copy(rows.at[b], out_hbm.at[cid, pl.ds(r, WB_ROWS)],
                             sem_s.at[b])
        for k in range(n_wb - 2, n_wb):
            b = k % 2
            pltpu.make_async_copy(
                rows.at[b],
                out_hbm.at[cid, pl.ds(rbase + k * WB_ROWS, WB_ROWS)],
                sem_s.at[b]).wait()

    return body(dst, e)


BR = 5000


def _mlp_block(x_ref, p_ref, w0x_ref, w0m_ref, w1_ref, w2_ref,
               b0_ref, b1_ref, b2_ref, gnw_ref, gnb_ref, out_ref):
    x = x_ref[...]
    msg = p_ref[0] + p_ref[1]
    h = jnp.dot(x, w0x_ref[...], preferred_element_type=jnp.float32)
    h += jnp.dot(msg, w0m_ref[...], preferred_element_type=jnp.float32)
    h = jnp.maximum(h + b0_ref[...], 0.0)
    h = jnp.dot(h, w1_ref[...], preferred_element_type=jnp.float32)
    h = jnp.maximum(h + b1_ref[...], 0.0)
    h = jnp.dot(h, w2_ref[...], preferred_element_type=jnp.float32)
    h = h + b2_ref[...]
    mean = jnp.mean(h, axis=1, keepdims=True)
    var = jnp.mean((h - mean) ** 2, axis=1, keepdims=True)
    h = (h - mean) * lax.rsqrt(var + EPS) * gnw_ref[...] + gnb_ref[...]
    out_ref[...] = x + h


def _mlp(x, partials, w0x, w0m, w1t, w2t, b0, b1, b2, gn_w, gn_b):
    n = x.shape[0]
    grid = (n // BR,)
    row_spec = pl.BlockSpec((BR, DIM), lambda i: (i, 0))
    p_spec = pl.BlockSpec((NC, BR, DIM), lambda i: (0, i, 0))
    full = lambda a: pl.BlockSpec(a.shape, lambda i: (0,) * a.ndim)
    return pl.pallas_call(
        _mlp_block,
        grid=grid,
        in_specs=[row_spec, p_spec,
                  full(w0x), full(w0m), full(w1t), full(w2t),
                  full(b0), full(b1), full(b2), full(gn_w), full(gn_b)],
        out_specs=row_spec,
        out_shape=jax.ShapeDtypeStruct((n, DIM), jnp.float32),
        compiler_params=pltpu.CompilerParams(
            dimension_semantics=("parallel",),
        ),
    )(x, partials, w0x, w0m, w1t, w2t, b0, b1, b2, gn_w, gn_b)


def kernel(x, edge_index, e, W0, b0, W1, b1, W2, b2, gn_w, gn_b):
    dst = edge_index[1].reshape(NW, N_CHUNKS, CHUNK)
    partials = _sc_scatter_add(dst, e)
    w0t = W0.T
    out = _mlp(x, partials,
               w0t[:DIM], w0t[DIM:], W1.T, W2.T,
               b0[None, :], b1[None, :], b2[None, :],
               gn_w[None, :], gn_b[None, :])
    return out

# --- scband reference (transcript-rebuilt; emitter-appended) ---
"""Pipeline reference for scband-node-conv-19344532702267 (READ-ONLY COPY).

The authoritative reference and input builder live on the scoring server;
editing this copy changes nothing except your own understanding.
"""

import jax, jax.numpy as jnp
import numpy as np

IN_DIM = 128
H_DIM = 128
OUT_DIM = 128
N_NODES = 10000
N_EDGES = 320000
EPS = 1e-5


def setup_inputs(seed: int = 0) -> dict:
    key = jax.random.key(seed)
    ks = jax.random.split(key, 12)
    x = jax.random.normal(ks[0], (N_NODES, IN_DIM), dtype=jnp.float32)
    edge_index = jax.random.randint(ks[1], (2, N_EDGES), 0, N_NODES, dtype=jnp.int64 if jax.config.jax_enable_x64 else jnp.int32).astype(jnp.int32)
    e = jax.random.normal(ks[2], (N_EDGES, IN_DIM), dtype=jnp.float32)
    # MLP params: Linear(2*in_dim, h_dim), Linear(h_dim, h_dim) x n_layers(=1), Linear(h_dim, out_dim), GroupNorm(1, out_dim)
    def lin(k, fan_in, fan_out):
        bound = 1.0 / np.sqrt(fan_in)
        kw, kb = jax.random.split(k)
        W = jax.random.uniform(kw, (fan_out, fan_in), minval=-bound, maxval=bound, dtype=jnp.float32)
        b = jax.random.uniform(kb, (fan_out,), minval=-bound, maxval=bound, dtype=jnp.float32)
        return W, b
    W0, b0 = lin(ks[3], 2 * IN_DIM, H_DIM)
    W1, b1 = lin(ks[4], H_DIM, H_DIM)
    W2, b2 = lin(ks[5], H_DIM, OUT_DIM)
    gn_w = jnp.ones((OUT_DIM,), dtype=jnp.float32)
    gn_b = jnp.zeros((OUT_DIM,), dtype=jnp.float32)
    return {"x": x, "edge_index": edge_index, "e": e,
            "W0": W0, "b0": b0, "W1": W1, "b1": b1, "W2": W2, "b2": b2,
            "gn_w": gn_w, "gn_b": gn_b}


def reference(x, edge_index, e, W0, b0, W1, b1, W2, b2, gn_w, gn_b):
    # scatter-add messages e into destination nodes (edge_index[1])
    msg_e = jax.ops.segment_sum(e, edge_index[1], num_segments=x.shape[0])
    in_ = jnp.concatenate([x, msg_e], axis=1)
    h = jax.nn.relu(in_ @ W0.T + b0)
    h = jax.nn.relu(h @ W1.T + b1)
    h = h @ W2.T + b2
    # GroupNorm(num_groups=1, num_channels=OUT_DIM) on [N, C]: normalize over C per row
    mean = jnp.mean(h, axis=1, keepdims=True)
    var = jnp.var(h, axis=1, keepdims=True)
    h = (h - mean) / jnp.sqrt(var + EPS) * gn_w + gn_b
    return x + h

if __name__ == "__main__":
    import jax
    _d = setup_inputs()
    print(jax.jit(kernel)(*tuple(_d.values())))

</pallas_src>

<mosaic_0001>
#map = affine_map<(d0, d1) -> (0, 0, 0)>
#map1 = affine_map<(d0, d1) -> (0, 0)>
module attributes {stable_mosaic.version = 14 : i64} {
  func.func @body(%arg0: i32, %arg1: i32, %arg2: memref<32x125x80xi32, #tpu.memory_space<hbm>>, %arg3: memref<320000x128xf32, #tpu.memory_space<hbm>>, %arg4: memref<2x10240x128xf32, #tpu.memory_space<hbm>>, %arg5: memref<125x80xi32, #tpu.memory_space<vmem>>, %arg6: memref<3x80x128xf32, #tpu.memory_space<vmem>>, %arg7: memref<10240x128xf32, #tpu.memory_space<vmem_shared>>, %arg8: memref<3x!tpu.dma_semaphore, #tpu.memory_space<semaphore_mem>>, %arg9: memref<3x!tpu.dma_semaphore, #tpu.memory_space<semaphore_mem>>, %arg10: memref<!tpu.dma_semaphore, #tpu.memory_space<semaphore_mem>>, %arg11: memref<!tpu.dma_semaphore, #tpu.memory_space<semaphore_mem>>) attributes {dimension_semantics = [#tpu.dimension_semantics<core_parallel>, #tpu.dimension_semantics<subcore_parallel>], iteration_bounds = array<i64: 2, 16>, scalar_prefetch = 0 : i64, scratch_operands = 7 : i64, tpu.core_type = #tpu.core_type<sc_vector_subcore>, window_params = [{transform_indices = #map}, {transform_indices = #map1}, {transform_indices = #map}]} {
    %mul3A = arith.constant 2 : i32
    %mul3A_0 = arith.muli %arg1, %mul3A : i32
    %add3A = arith.addi %mul3A_0, %arg0 : i32
    %mul3A_1 = arith.constant 10000 : i32
    %mul3A_2 = arith.muli %add3A, %mul3A_1 : i32
    %mul3A_3 = arith.constant 640 : i32
    %mul3A_4 = arith.muli %arg1, %mul3A_3 : i32
    %dma_start3A = arith.constant 0 : i32
    %dma_start3A_5 = arith.constant 0 : i32
    %dma_start3A_6 = tpu.memref_slice %arg2[%add3A, %dma_start3A, %dma_start3A_5] : memref<32x125x80xi32, #tpu.memory_space<hbm>> -> memref<1x125x80xi32, #tpu.memory_space<hbm>>
    %dma_start3A_7 = tpu.memref_squeeze %dma_start3A_6 : memref<1x125x80xi32, #tpu.memory_space<hbm>> -> memref<125x80xi32, #tpu.memory_space<hbm>>
    %dma_start3A_8 = arith.constant 0 : i32
    %dma_start3A_9 = arith.constant 0 : i32
    %dma_start3A_10 = tpu.memref_slice %arg2[%add3A, %dma_start3A_8, %dma_start3A_9] : memref<32x125x80xi32, #tpu.memory_space<hbm>> -> memref<1x125x80xi32, #tpu.memory_space<hbm>>
    %dma_start3A_11 = tpu.memref_squeeze %dma_start3A_10 : memref<1x125x80xi32, #tpu.memory_space<hbm>> -> memref<125x80xi32, #tpu.memory_space<hbm>>
    tpu.enqueue_dma source(%dma_start3A_11 : memref<125x80xi32, #tpu.memory_space<hbm>>) target(%arg5 : memref<125x80xi32, #tpu.memory_space<vmem>>) target_semaphore(%arg11 : memref<!tpu.dma_semaphore, #tpu.memory_space<semaphore_mem>>)
    %add3A_12 = arith.constant 80 : i32
    %add3A_13 = arith.addi %mul3A_2, %add3A_12 : i32
    %dma_start3A_14 = arith.constant 1 : i32
    %dma_start3A_15 = arith.constant 1 : i32
    %dma_start3A_16 = arith.constant 0 : i32
    %dma_start3A_17 = arith.constant 0 : i32
    %dma_start3A_18 = tpu.memref_slice %arg6[%dma_start3A_14, %dma_start3A_16, %dma_start3A_17] : memref<3x80x128xf32, #tpu.memory_space<vmem>> -> memref<1x80x128xf32, #tpu.memory_space<vmem>>
    %dma_start3A_19 = tpu.memref_squeeze %dma_start3A_18 : memref<1x80x128xf32, #tpu.memory_space<vmem>> -> memref<80x128xf32, #tpu.memory_space<vmem>>
    %dma_start3A_20 = arith.constant 0 : i32
    %dma_start3A_21 = tpu.memref_slice %arg3[%add3A_13, %dma_start3A_20] : memref<320000x128xf32, #tpu.memory_space<hbm>> -> memref<80x128xf32, #tpu.memory_space<hbm>>
    %dma_start3A_22 = tpu.memref_slice %arg8[%dma_start3A_15] : memref<3x!tpu.dma_semaphore, #tpu.memory_space<semaphore_mem>> -> memref<1x!tpu.dma_semaphore, #tpu.memory_space<semaphore_mem>>
    %dma_start3A_23 = tpu.memref_squeeze %dma_start3A_22 : memref<1x!tpu.dma_semaphore, #tpu.memory_space<semaphore_mem>> -> memref<!tpu.dma_semaphore, #tpu.memory_space<semaphore_mem>>
    %dma_start3A_24 = arith.constant 0 : i32
    %dma_start3A_25 = arith.constant 0 : i32
    %dma_start3A_26 = tpu.memref_slice %arg6[%dma_start3A_14, %dma_start3A_24, %dma_start3A_25] : memref<3x80x128xf32, #tpu.memory_space<vmem>> -> memref<1x80x128xf32, #tpu.memory_space<vmem>>
    %dma_start3A_27 = tpu.memref_squeeze %dma_start3A_26 : memref<1x80x128xf32, #tpu.memory_space<vmem>> -> memref<80x128xf32, #tpu.memory_space<vmem>>
    %dma_start3A_28 = arith.constant 0 : i32
    %dma_start3A_29 = tpu.memref_slice %arg3[%add3A_13, %dma_start3A_28] : memref<320000x128xf32, #tpu.memory_space<hbm>> -> memref<80x128xf32, #tpu.memory_space<hbm>>
    tpu.enqueue_dma source(%dma_start3A_29 : memref<80x128xf32, #tpu.memory_space<hbm>>) target(%dma_start3A_27 : memref<80x128xf32, #tpu.memory_space<vmem>>) target_semaphore(%dma_start3A_23 : memref<!tpu.dma_semaphore, #tpu.memory_space<semaphore_mem>>)
    %add3A_30 = arith.constant 160 : i32
    %add3A_31 = arith.addi %mul3A_2, %add3A_30 : i32
    %dma_start3A_32 = arith.constant 2 : i32
    %dma_start3A_33 = arith.constant 2 : i32
    %dma_start3A_34 = arith.constant 0 : i32
    %dma_start3A_35 = arith.constant 0 : i32
    %dma_start3A_36 = tpu.memref_slice %arg6[%dma_start3A_32, %dma_start3A_34, %dma_start3A_35] : memref<3x80x128xf32, #tpu.memory_space<vmem>> -> memref<1x80x128xf32, #tpu.memory_space<vmem>>
    %dma_start3A_37 = tpu.memref_squeeze %dma_start3A_36 : memref<1x80x128xf32, #tpu.memory_space<vmem>> -> memref<80x128xf32, #tpu.memory_space<vmem>>
    %dma_start3A_38 = arith.constant 0 : i32
    %dma_start3A_39 = tpu.memref_slice %arg3[%add3A_31, %dma_start3A_38] : memref<320000x128xf32, #tpu.memory_space<hbm>> -> memref<80x128xf32, #tpu.memory_space<hbm>>
    %dma_start3A_40 = tpu.memref_slice %arg8[%dma_start3A_33] : memref<3x!tpu.dma_semaphore, #tpu.memory_space<semaphore_mem>> -> memref<1x!tpu.dma_semaphore, #tpu.memory_space<semaphore_mem>>
    %dma_start3A_41 = tpu.memref_squeeze %dma_start3A_40 : memref<1x!tpu.dma_semaphore, #tpu.memory_space<semaphore_mem>> -> memref<!tpu.dma_semaphore, #tpu.memory_space<semaphore_mem>>
    %dma_start3A_42 = arith.constant 0 : i32
    %dma_start3A_43 = arith.constant 0 : i32
    %dma_start3A_44 = tpu.memref_slice %arg6[%dma_start3A_32, %dma_start3A_42, %dma_start3A_43] : memref<3x80x128xf32, #tpu.memory_space<vmem>> -> memref<1x80x128xf32, #tpu.memory_space<vmem>>
    %dma_start3A_45 = tpu.memref_squeeze %dma_start3A_44 : memref<1x80x128xf32, #tpu.memory_space<vmem>> -> memref<80x128xf32, #tpu.memory_space<vmem>>
    %dma_start3A_46 = arith.constant 0 : i32
    %dma_start3A_47 = tpu.memref_slice %arg3[%add3A_31, %dma_start3A_46] : memref<320000x128xf32, #tpu.memory_space<hbm>> -> memref<80x128xf32, #tpu.memory_space<hbm>>
    tpu.enqueue_dma source(%dma_start3A_47 : memref<80x128xf32, #tpu.memory_space<hbm>>) target(%dma_start3A_45 : memref<80x128xf32, #tpu.memory_space<vmem>>) target_semaphore(%dma_start3A_41 : memref<!tpu.dma_semaphore, #tpu.memory_space<semaphore_mem>>)
    %broadcast_in_dim3A = arith.constant 0.000000e+00 : f32
    %broadcast_in_dim3A_48 = vector.broadcast %broadcast_in_dim3A : f32 to vector<16xf32>
    %scan3A = arith.constant 0 : i32
    %scan3A_49 = arith.constant 0 : i32
    %scan3A_50 = arith.constant 640 : i32
    %scan3A_51 = arith.addi %scan3A_49, %scan3A_50 : i32
    %scan3A_52 = arith.constant 1 : i32
    scf.for %scan3A_950 = %scan3A_49 to %scan3A_51 step %scan3A_52  : i32 {
      %jit3A = arith.constant 8 : i32
      %div3A = arith.divsi %scan3A_950, %jit3A : i32
      %sign3A = arith.constant 0 : i32
      %sign3A_951 = arith.cmpi sgt, %scan3A_950, %sign3A : i32
      %sign3A_952 = arith.extui %sign3A_951 : i1 to i32
      %sign3A_953 = arith.constant 0 : i32
      %sign3A_954 = arith.cmpi slt, %scan3A_950, %sign3A_953 : i32
      %sign3A_955 = arith.extui %sign3A_954 : i1 to i32
      %sign3A_956 = arith.subi %sign3A_952, %sign3A_955 : i32
      %sign3A_957 = arith.constant 0 : i32
      %sign3A_958 = arith.cmpi sgt, %jit3A, %sign3A_957 : i32
      %sign3A_959 = arith.extui %sign3A_958 : i1 to i32
      %sign3A_960 = arith.constant 0 : i32
      %sign3A_961 = arith.cmpi slt, %jit3A, %sign3A_960 : i32
      %sign3A_962 = arith.extui %sign3A_961 : i1 to i32
      %sign3A_963 = arith.subi %sign3A_959, %sign3A_962 : i32
      %ne3A = arith.cmpi ne, %sign3A_956, %sign3A_963 : i32
      %rem3A = arith.remsi %scan3A_950, %jit3A : i32
      %ne3A_964 = arith.constant 0 : i32
      %ne3A_965 = arith.cmpi ne, %rem3A, %ne3A_964 : i32
      %and3A = arith.andi %ne3A, %ne3A_965 : i1
      %sub3A = arith.constant 1 : i32
      %sub3A_966 = arith.subi %div3A, %sub3A : i32
      %select_n3A = arith.select %and3A, %sub3A_966, %div3A : i32
      %jit3A_967 = arith.constant 8 : i32
      %eq3A = arith.constant 0 : i32
      %eq3A_968 = arith.cmpi eq, %jit3A_967, %eq3A : i32
      %jit3A_969 = arith.constant 1 : i32
      %select_n3A_970 = arith.select %eq3A_968, %jit3A_969, %jit3A_967 : i32
      %rem3A_971 = arith.remsi %scan3A_950, %select_n3A_970 : i32
      %ne3A_972 = arith.constant 0 : i32
      %ne3A_973 = arith.cmpi ne, %rem3A_971, %ne3A_972 : i32
      %lt3A = arith.constant 0 : i32
      %lt3A_974 = arith.cmpi slt, %rem3A_971, %lt3A : i32
      %lt3A_975 = arith.constant 0 : i32
      %lt3A_976 = arith.cmpi slt, %select_n3A_970, %lt3A_975 : i32
      %ne3A_977 = arith.xori %lt3A_974, %lt3A_976 : i1
      %and3A_978 = arith.andi %ne3A_977, %ne3A_973 : i1
      %add3A_979 = arith.addi %rem3A_971, %select_n3A_970 : i32
      %select_n3A_980 = arith.select %and3A_978, %add3A_979, %rem3A_971 : i32
      %mul3A_981 = arith.constant 16 : i32
      %mul3A_982 = arith.muli %select_n3A_980, %mul3A_981 : i32
      %swap3A = arith.constant 0 : i32
      %swap3A_983 = arith.index_cast %swap3A : i32 to index
      %swap3A_984 = arith.index_cast %select_n3A : i32 to index
      %swap3A_985 = arith.index_cast %mul3A_982 : i32 to index
      %swap3A_986 = tpu.vector_load %arg6[%swap3A_983, %swap3A_984, %swap3A_985] {strides = array<i32>} : memref<3x80x128xf32, #tpu.memory_space<vmem>>, vector<1x1x16xf32>,
      %swap3A_987 = vector.shape_cast %swap3A_986 : vector<1x1x16xf32> to vector<16xf32>
      %swap3A_988 = vector.shape_cast %broadcast_in_dim3A_48 : vector<16xf32> to vector<1x1x16xf32>
      tpu.vector_store %arg6[%swap3A_983, %swap3A_984, %swap3A_985], %swap3A_988 {strides = array<i32>} : memref<3x80x128xf32, #tpu.memory_space<vmem>>, vector<1x1x16xf32>,
    }
    %scan3A_53 = arith.constant 640 : i32
    %scan3A_54 = arith.constant 0 : i32
    %scan3A_55 = arith.constant 0 : i32
    %scan3A_56 = arith.constant 8 : i32
    %scan3A_57 = arith.addi %scan3A_55, %scan3A_56 : i32
    %scan3A_58 = arith.constant 1 : i32
    scf.for %scan3A_950 = %scan3A_55 to %scan3A_57 step %scan3A_58  : i32 {
      %mul3A_951 = arith.constant 80 : i32
      %mul3A_952 = arith.muli %scan3A_950, %mul3A_951 : i32
      %add3A_953 = arith.addi %mul3A_4, %mul3A_952 : i32
      %dma_start3A_954 = arith.constant 0 : i32
      %dma_start3A_955 = arith.constant 0 : i32
      %dma_start3A_956 = arith.constant 0 : i32
      %dma_start3A_957 = tpu.memref_slice %arg6[%dma_start3A_954, %dma_start3A_955, %dma_start3A_956] : memref<3x80x128xf32, #tpu.memory_space<vmem>> -> memref<1x80x128xf32, #tpu.memory_space<vmem>>
      %dma_start3A_958 = tpu.memref_squeeze %dma_start3A_957 : memref<1x80x128xf32, #tpu.memory_space<vmem>> -> memref<80x128xf32, #tpu.memory_space<vmem>>
      %dma_start3A_959 = arith.constant 0 : i32
      %dma_start3A_960 = tpu.memref_slice %arg7[%add3A_953, %dma_start3A_959] : memref<10240x128xf32, #tpu.memory_space<vmem_shared>> -> memref<80x128xf32, #tpu.memory_space<vmem_shared>>
      %dma_start3A_961 = arith.constant 0 : i32
      %dma_start3A_962 = tpu.memref_slice %arg7[%add3A_953, %dma_start3A_961] : memref<10240x128xf32, #tpu.memory_space<vmem_shared>> -> memref<80x128xf32, #tpu.memory_space<vmem_shared>>
      %dma_start3A_963 = arith.constant 0 : i32
      %dma_start3A_964 = arith.constant 0 : i32
      %dma_start3A_965 = tpu.memref_slice %arg6[%dma_start3A_954, %dma_start3A_963, %dma_start3A_964] : memref<3x80x128xf32, #tpu.memory_space<vmem>> -> memref<1x80x128xf32, #tpu.memory_space<vmem>>
      %dma_start3A_966 = tpu.memref_squeeze %dma_start3A_965 : memref<1x80x128xf32, #tpu.memory_space<vmem>> -> memref<80x128xf32, #tpu.memory_space<vmem>>
      tpu.enqueue_dma source(%dma_start3A_966 : memref<80x128xf32, #tpu.memory_space<vmem>>) target(%dma_start3A_962 : memref<80x128xf32, #tpu.memory_space<vmem_shared>>) target_semaphore(%arg10 : memref<!tpu.dma_semaphore, #tpu.memory_space<semaphore_mem>>)
    }
    %scan3A_59 = arith.constant 8 : i32
    %scan3A_60 = arith.constant 0 : i32
    %scan3A_61 = arith.constant 0 : i32
    %scan3A_62 = arith.constant 8 : i32
    %scan3A_63 = arith.addi %scan3A_61, %scan3A_62 : i32
    %scan3A_64 = arith.constant 1 : i32
    scf.for %scan3A_950 = %scan3A_61 to %scan3A_63 step %scan3A_64  : i32 {
      %mul3A_951 = arith.constant 80 : i32
      %mul3A_952 = arith.muli %scan3A_950, %mul3A_951 : i32
      %add3A_953 = arith.addi %mul3A_4, %mul3A_952 : i32
      %dma_wait3A_954 = arith.constant 0 : i32
      %dma_wait3A_955 = arith.constant 0 : i32
      %dma_wait3A_956 = arith.constant 0 : i32
      %dma_wait3A_957 = tpu.memref_slice %arg6[%dma_wait3A_954, %dma_wait3A_955, %dma_wait3A_956] : memref<3x80x128xf32, #tpu.memory_space<vmem>> -> memref<1x80x128xf32, #tpu.memory_space<vmem>>
      %dma_wait3A_958 = tpu.memref_squeeze %dma_wait3A_957 : memref<1x80x128xf32, #tpu.memory_space<vmem>> -> memref<80x128xf32, #tpu.memory_space<vmem>>
      %dma_wait3A_959 = arith.constant 0 : i32
      %dma_wait3A_960 = tpu.memref_slice %arg7[%add3A_953, %dma_wait3A_959] : memref<10240x128xf32, #tpu.memory_space<vmem_shared>> -> memref<80x128xf32, #tpu.memory_space<vmem_shared>>
      %dma_wait3A_961 = arith.constant 0 : i32
      %dma_wait3A_962 = tpu.memref_slice %arg7[%add3A_953, %dma_wait3A_961] : memref<10240x128xf32, #tpu.memory_space<vmem_shared>> -> memref<80x128xf32, #tpu.memory_space<vmem_shared>>
      %dma_wait3A_963 = arith.constant 0 : i32
      %dma_wait3A_964 = arith.constant 0 : i32
      %dma_wait3A_965 = tpu.memref_slice %arg6[%dma_wait3A_954, %dma_wait3A_963, %dma_wait3A_964] : memref<3x80x128xf32, #tpu.memory_space<vmem>> -> memref<1x80x128xf32, #tpu.memory_space<vmem>>
      %dma_wait3A_966 = tpu.memref_squeeze %dma_wait3A_965 : memref<1x80x128xf32, #tpu.memory_space<vmem>> -> memref<80x128xf32, #tpu.memory_space<vmem>>
      tpu.wait_dma2 semaphore(%arg10 : memref<!tpu.dma_semaphore, #tpu.memory_space<semaphore_mem>>) src(%dma_wait3A_966 : memref<80x128xf32, #tpu.memory_space<vmem>>) dst(%dma_wait3A_962 : memref<80x128xf32, #tpu.memory_space<vmem_shared>>)
    }
    %scan3A_65 = arith.constant 8 : i32
    %add3A_66 = arith.constant 0 : i32
    %add3A_67 = arith.addi %mul3A_2, %add3A_66 : i32
    %dma_start3A_68 = arith.constant 0 : i32
    %dma_start3A_69 = arith.constant 0 : i32
    %dma_start3A_70 = arith.constant 0 : i32
    %dma_start3A_71 = arith.constant 0 : i32
    %dma_start3A_72 = tpu.memref_slice %arg6[%dma_start3A_68, %dma_start3A_70, %dma_start3A_71] : memref<3x80x128xf32, #tpu.memory_space<vmem>> -> memref<1x80x128xf32, #tpu.memory_space<vmem>>
    %dma_start3A_73 = tpu.memref_squeeze %dma_start3A_72 : memref<1x80x128xf32, #tpu.memory_space<vmem>> -> memref<80x128xf32, #tpu.memory_space<vmem>>
    %dma_start3A_74 = arith.constant 0 : i32
    %dma_start3A_75 = tpu.memref_slice %arg3[%add3A_67, %dma_start3A_74] : memref<320000x128xf32, #tpu.memory_space<hbm>> -> memref<80x128xf32, #tpu.memory_space<hbm>>
    %dma_start3A_76 = tpu.memref_slice %arg8[%dma_start3A_69] : memref<3x!tpu.dma_semaphore, #tpu.memory_space<semaphore_mem>> -> memref<1x!tpu.dma_semaphore, #tpu.memory_space<semaphore_mem>>
    %dma_start3A_77 = tpu.memref_squeeze %dma_start3A_76 : memref<1x!tpu.dma_semaphore, #tpu.memory_space<semaphore_mem>> -> memref<!tpu.dma_semaphore, #tpu.memory_space<semaphore_mem>>
    %dma_start3A_78 = arith.constant 0 : i32
    %dma_start3A_79 = arith.constant 0 : i32
    %dma_start3A_80 = tpu.memref_slice %arg6[%dma_start3A_68, %dma_start3A_78, %dma_start3A_79] : memref<3x80x128xf32, #tpu.memory_space<vmem>> -> memref<1x80x128xf32, #tpu.memory_space<vmem>>
    %dma_start3A_81 = tpu.memref_squeeze %dma_start3A_80 : memref<1x80x128xf32, #tpu.memory_space<vmem>> -> memref<80x128xf32, #tpu.memory_space<vmem>>
    %dma_start3A_82 = arith.constant 0 : i32
    %dma_start3A_83 = tpu.memref_slice %arg3[%add3A_67, %dma_start3A_82] : memref<320000x128xf32, #tpu.memory_space<hbm>> -> memref<80x128xf32, #tpu.memory_space<hbm>>
    tpu.enqueue_dma source(%dma_start3A_83 : memref<80x128xf32, #tpu.memory_space<hbm>>) target(%dma_start3A_81 : memref<80x128xf32, #tpu.memory_space<vmem>>) target_semaphore(%dma_start3A_77 : memref<!tpu.dma_semaphore, #tpu.memory_space<semaphore_mem>>)
    %dma_wait3A = arith.constant 0 : i32
    %dma_wait3A_84 = arith.constant 0 : i32
    %dma_wait3A_85 = tpu.memref_slice %arg2[%add3A, %dma_wait3A, %dma_wait3A_84] : memref<32x125x80xi32, #tpu.memory_space<hbm>> -> memref<1x125x80xi32, #tpu.memory_space<hbm>>
    %dma_wait3A_86 = tpu.memref_squeeze %dma_wait3A_85 : memref<1x125x80xi32, #tpu.memory_space<hbm>> -> memref<125x80xi32, #tpu.memory_space<hbm>>
    %dma_wait3A_87 = arith.constant 0 : i32
    %dma_wait3A_88 = arith.constant 0 : i32
    %dma_wait3A_89 = tpu.memref_slice %arg2[%add3A, %dma_wait3A_87, %dma_wait3A_88] : memref<32x125x80xi32, #tpu.memory_space<hbm>> -> memref<1x125x80xi32, #tpu.memory_space<hbm>>
    %dma_wait3A_90 = tpu.memref_squeeze %dma_wait3A_89 : memref<1x125x80xi32, #tpu.memory_space<hbm>> -> memref<125x80xi32, #tpu.memory_space<hbm>>
    tpu.wait_dma2 semaphore(%arg11 : memref<!tpu.dma_semaphore, #tpu.memory_space<semaphore_mem>>) src(%dma_wait3A_90 : memref<125x80xi32, #tpu.memory_space<hbm>>) dst(%arg5 : memref<125x80xi32, #tpu.memory_space<vmem>>)
    %barrier3A = arith.constant 0 : index
    tpu.barrier barrier_id(%barrier3A)
    %add3A_91 = arith.constant 0 : i32
    %add3A_92 = arith.addi %mul3A_2, %add3A_91 : i32
    %dma_wait3A_93 = arith.constant 0 : i32
    %dma_wait3A_94 = arith.constant 0 : i32
    %dma_wait3A_95 = arith.constant 0 : i32
    %dma_wait3A_96 = arith.constant 0 : i32
    %dma_wait3A_97 = tpu.memref_slice %arg6[%dma_wait3A_93, %dma_wait3A_95, %dma_wait3A_96] : memref<3x80x128xf32, #tpu.memory_space<vmem>> -> memref<1x80x128xf32, #tpu.memory_space<vmem>>
    %dma_wait3A_98 = tpu.memref_squeeze %dma_wait3A_97 : memref<1x80x128xf32, #tpu.memory_space<vmem>> -> memref<80x128xf32, #tpu.memory_space<vmem>>
    %dma_wait3A_99 = arith.constant 0 : i32
    %dma_wait3A_100 = tpu.memref_slice %arg3[%add3A_92, %dma_wait3A_99] : memref<320000x128xf32, #tpu.memory_space<hbm>> -> memref<80x128xf32, #tpu.memory_space<hbm>>
    %dma_wait3A_101 = tpu.memref_slice %arg8[%dma_wait3A_94] : memref<3x!tpu.dma_semaphore, #tpu.memory_space<semaphore_mem>> -> memref<1x!tpu.dma_semaphore, #tpu.memory_space<semaphore_mem>>
    %dma_wait3A_102 = tpu.memref_squeeze %dma_wait3A_101 : memref<1x!tpu.dma_semaphore, #tpu.memory_space<semaphore_mem>> -> memref<!tpu.dma_semaphore, #tpu.memory_space<semaphore_mem>>
    %dma_wait3A_103 = arith.constant 0 : i32
    %dma_wait3A_104 = arith.constant 0 : i32
    %dma_wait3A_105 = tpu.memref_slice %arg6[%dma_wait3A_93, %dma_wait3A_103, %dma_wait3A_104] : memref<3x80x128xf32, #tpu.memory_space<vmem>> -> memref<1x80x128xf32, #tpu.memory_space<vmem>>
    %dma_wait3A_106 = tpu.memref_squeeze %dma_wait3A_105 : memref<1x80x128xf32, #tpu.memory_space<vmem>> -> memref<80x128xf32, #tpu.memory_space<vmem>>
    %dma_wait3A_107 = arith.constant 0 : i32
    %dma_wait3A_108 = tpu.memref_slice %arg3[%add3A_92, %dma_wait3A_107] : memref<320000x128xf32, #tpu.memory_space<hbm>> -> memref<80x128xf32, #tpu.memory_space<hbm>>
    tpu.wait_dma2 semaphore(%dma_wait3A_102 : memref<!tpu.dma_semaphore, #tpu.memory_space<semaphore_mem>>) src(%dma_wait3A_108 : memref<80x128xf32, #tpu.memory_space<hbm>>) dst(%dma_wait3A_106 : memref<80x128xf32, #tpu.memory_space<vmem>>)
    %dma_start3A_109 = arith.constant 0 : i32
    %dma_start3A_110 = arith.constant 0 : i32
    %dma_start3A_111 = arith.constant 0 : i32
    %dma_start3A_112 = arith.constant 0 : i32
    %dma_start3A_113 = arith.constant 0 : i32
    %dma_start3A_114 = tpu.memref_slice %arg6[%dma_start3A_109, %dma_start3A_112, %dma_start3A_113] : memref<3x80x128xf32, #tpu.memory_space<vmem>> -> memref<1x80x128xf32, #tpu.memory_space<vmem>>
    %dma_start3A_115 = tpu.memref_squeeze %dma_start3A_114 : memref<1x80x128xf32, #tpu.memory_space<vmem>> -> memref<80x128xf32, #tpu.memory_space<vmem>>
    %dma_start3A_116 = arith.constant 0 : i32
    %dma_start3A_117 = tpu.memref_slice %arg5[%dma_start3A_110, %dma_start3A_116] : memref<125x80xi32, #tpu.memory_space<vmem>> -> memref<1x80xi32, #tpu.memory_space<vmem>>
    %dma_start3A_118 = tpu.memref_squeeze %dma_start3A_117 : memref<1x80xi32, #tpu.memory_space<vmem>> -> memref<80xi32, #tpu.memory_space<vmem>>
    %dma_start3A_119 = arith.constant 0 : i32
    %dma_start3A_120 = arith.constant 0 : i32
    %dma_start3A_121 = tpu.memref_slice %arg7[%dma_start3A_119, %dma_start3A_120] : memref<10240x128xf32, #tpu.memory_space<vmem_shared>> -> memref<10240x128xf32, #tpu.memory_space<vmem_shared>>
    %dma_start3A_122 = tpu.memref_slice %arg9[%dma_start3A_111] : memref<3x!tpu.dma_semaphore, #tpu.memory_space<semaphore_mem>> -> memref<1x!tpu.dma_semaphore, #tpu.memory_space<semaphore_mem>>
    %dma_start3A_123 = tpu.memref_squeeze %dma_start3A_122 : memref<1x!tpu.dma_semaphore, #tpu.memory_space<semaphore_mem>> -> memref<!tpu.dma_semaphore, #tpu.memory_space<semaphore_mem>>
    tpu.enqueue_indirect_dma source(%dma_start3A_115 : memref<80x128xf32, #tpu.memory_space<vmem>>) target(%dma_start3A_121 : memref<10240x128xf32, #tpu.memory_space<vmem_shared>>) offsets(%dma_start3A_118 : memref<80xi32, #tpu.memory_space<vmem>>) semaphore(%dma_start3A_123 : memref<!tpu.dma_semaphore, #tpu.memory_space<semaphore_mem>>) {add = true}
    %add3A_124 = arith.constant 80 : i32
    %add3A_125 = arith.addi %mul3A_2, %add3A_124 : i32
    %dma_wait3A_126 = arith.constant 1 : i32
    %dma_wait3A_127 = arith.constant 1 : i32
    %dma_wait3A_128 = arith.constant 0 : i32
    %dma_wait3A_129 = arith.constant 0 : i32
    %dma_wait3A_130 = tpu.memref_slice %arg6[%dma_wait3A_126, %dma_wait3A_128, %dma_wait3A_129] : memref<3x80x128xf32, #tpu.memory_space<vmem>> -> memref<1x80x128xf32, #tpu.memory_space<vmem>>
    %dma_wait3A_131 = tpu.memref_squeeze %dma_wait3A_130 : memref<1x80x128xf32, #tpu.memory_space<vmem>> -> memref<80x128xf32, #tpu.memory_space<vmem>>
    %dma_wait3A_132 = arith.constant 0 : i32
    %dma_wait3A_133 = tpu.memref_slice %arg3[%add3A_125, %dma_wait3A_132] : memref<320000x128xf32, #tpu.memory_space<hbm>> -> memref<80x128xf32, #tpu.memory_space<hbm>>
    %dma_wait3A_134 = tpu.memref_slice %arg8[%dma_wait3A_127] : memref<3x!tpu.dma_semaphore, #tpu.memory_space<semaphore_mem>> -> memref<1x!tpu.dma_semaphore, #tpu.memory_space<semaphore_mem>>
    %dma_wait3A_135 = tpu.memref_squeeze %dma_wait3A_134 : memref<1x!tpu.dma_semaphore, #tpu.memory_space<semaphore_mem>> -> memref<!tpu.dma_semaphore, #tpu.memory_space<semaphore_mem>>
    %dma_wait3A_136 = arith.constant 0 : i32
    %dma_wait3A_137 = arith.constant 0 : i32
    %dma_wait3A_138 = tpu.memref_slice %arg6[%dma_wait3A_126, %dma_wait3A_136, %dma_wait3A_137] : memref<3x80x128xf32, #tpu.memory_space<vmem>> -> memref<1x80x128xf32, #tpu.memory_space<vmem>>
    %dma_wait3A_139 = tpu.memref_squeeze %dma_wait3A_138 : memref<1x80x128xf32, #tpu.memory_space<vmem>> -> memref<80x128xf32, #tpu.memory_space<vmem>>
    %dma_wait3A_140 = arith.constant 0 : i32
    %dma_wait3A_141 = tpu.memref_slice %arg3[%add3A_125, %dma_wait3A_140] : memref<320000x128xf32, #tpu.memory_space<hbm>> -> memref<80x128xf32, #tpu.memory_space<hbm>>
    tpu.wait_dma2 semaphore(%dma_wait3A_135 : memref<!tpu.dma_semaphore, #tpu.memory_space<semaphore_mem>>) src(%dma_wait3A_141 : memref<80x128xf32, #tpu.memory_space<hbm>>) dst(%dma_wait3A_139 : memref<80x128xf32, #tpu.memory_space<vmem>>)
    %dma_start3A_142 = arith.constant 1 : i32
    %dma_start3A_143 = arith.constant 1 : i32
    %dma_start3A_144 = arith.constant 1 : i32
    %dma_start3A_145 = arith.constant 0 : i32
    %dma_start3A_146 = arith.constant 0 : i32
    %dma_start3A_147 = tpu.memref_slice %arg6[%dma_start3A_142, %dma_start3A_145, %dma_start3A_146] : memref<3x80x128xf32, #tpu.memory_space<vmem>> -> memref<1x80x128xf32, #tpu.memory_space<vmem>>
    %dma_start3A_148 = tpu.memref_squeeze %dma_start3A_147 : memref<1x80x128xf32, #tpu.memory_space<vmem>> -> memref<80x128xf32, #tpu.memory_space<vmem>>
    %dma_start3A_149 = arith.constant 0 : i32
    %dma_start3A_150 = tpu.memref_slice %arg5[%dma_start3A_143, %dma_start3A_149] : memref<125x80xi32, #tpu.memory_space<vmem>> -> memref<1x80xi32, #tpu.memory_space<vmem>>
    %dma_start3A_151 = tpu.memref_squeeze %dma_start3A_150 : memref<1x80xi32, #tpu.memory_space<vmem>> -> memref<80xi32, #tpu.memory_space<vmem>>
    %dma_start3A_152 = arith.constant 0 : i32
    %dma_start3A_153 = arith.constant 0 : i32
    %dma_start3A_154 = tpu.memref_slice %arg7[%dma_start3A_152, %dma_start3A_153] : memref<10240x128xf32, #tpu.memory_space<vmem_shared>> -> memref<10240x128xf32, #tpu.memory_space<vmem_shared>>
    %dma_start3A_155 = tpu.memref_slice %arg9[%dma_start3A_144] : memref<3x!tpu.dma_semaphore, #tpu.memory_space<semaphore_mem>> -> memref<1x!tpu.dma_semaphore, #tpu.memory_space<semaphore_mem>>
    %dma_start3A_156 = tpu.memref_squeeze %dma_start3A_155 : memref<1x!tpu.dma_semaphore, #tpu.memory_space<semaphore_mem>> -> memref<!tpu.dma_semaphore, #tpu.memory_space<semaphore_mem>>
    tpu.enqueue_indirect_dma source(%dma_start3A_148 : memref<80x128xf32, #tpu.memory_space<vmem>>) target(%dma_start3A_154 : memref<10240x128xf32, #tpu.memory_space<vmem_shared>>) offsets(%dma_start3A_151 : memref<80xi32, #tpu.memory_space<vmem>>) semaphore(%dma_start3A_156 : memref<!tpu.dma_semaphore, #tpu.memory_space<semaphore_mem>>) {add = true}
    %dma_wait3A_157 = arith.constant 0 : i32
    %dma_wait3A_158 = arith.constant 0 : i32
    %dma_wait3A_159 = arith.constant 0 : i32
    %dma_wait3A_160 = arith.constant 0 : i32
    %dma_wait3A_161 = arith.constant 0 : i32
    %dma_wait3A_162 = tpu.memref_slice %arg6[%dma_wait3A_157, %dma_wait3A_160, %dma_wait3A_161] : memref<3x80x128xf32, #tpu.memory_space<vmem>> -> memref<1x80x128xf32, #tpu.memory_space<vmem>>
    %dma_wait3A_163 = tpu.memref_squeeze %dma_wait3A_162 : memref<1x80x128xf32, #tpu.memory_space<vmem>> -> memref<80x128xf32, #tpu.memory_space<vmem>>
    %dma_wait3A_164 = arith.constant 0 : i32
    %dma_wait3A_165 = tpu.memref_slice %arg5[%dma_wait3A_158, %dma_wait3A_164] : memref<125x80xi32, #tpu.memory_space<vmem>> -> memref<1x80xi32, #tpu.memory_space<vmem>>
    %dma_wait3A_166 = tpu.memref_squeeze %dma_wait3A_165 : memref<1x80xi32, #tpu.memory_space<vmem>> -> memref<80xi32, #tpu.memory_space<vmem>>
    %dma_wait3A_167 = arith.constant 0 : i32
    %dma_wait3A_168 = arith.constant 0 : i32
    %dma_wait3A_169 = tpu.memref_slice %arg7[%dma_wait3A_167, %dma_wait3A_168] : memref<10240x128xf32, #tpu.memory_space<vmem_shared>> -> memref<10240x128xf32, #tpu.memory_space<vmem_shared>>
    %dma_wait3A_170 = tpu.memref_slice %arg9[%dma_wait3A_159] : memref<3x!tpu.dma_semaphore, #tpu.memory_space<semaphore_mem>> -> memref<1x!tpu.dma_semaphore, #tpu.memory_space<semaphore_mem>>
    %dma_wait3A_171 = tpu.memref_squeeze %dma_wait3A_170 : memref<1x!tpu.dma_semaphore, #tpu.memory_space<semaphore_mem>> -> memref<!tpu.dma_semaphore, #tpu.memory_space<semaphore_mem>>
    tpu.wait_indirect_dma semaphore(%dma_wait3A_171 : memref<!tpu.dma_semaphore, #tpu.memory_space<semaphore_mem>>) src(%dma_wait3A_163 : memref<80x128xf32, #tpu.memory_space<vmem>>) dst(%dma_wait3A_169 : memref<10240x128xf32, #tpu.memory_space<vmem_shared>>)
    %add3A_172 = arith.constant 240 : i32
    %add3A_173 = arith.addi %mul3A_2, %add3A_172 : i32
    %dma_start3A_174 = arith.constant 0 : i32
    %dma_start3A_175 = arith.constant 0 : i32
    %dma_start3A_176 = arith.constant 0 : i32
    %dma_start3A_177 = arith.constant 0 : i32
    %dma_start3A_178 = tpu.memref_slice %arg6[%dma_start3A_174, %dma_start3A_176, %dma_start3A_177] : memref<3x80x128xf32, #tpu.memory_space<vmem>> -> memref<1x80x128xf32, #tpu.memory_space<vmem>>
    %dma_start3A_179 = tpu.memref_squeeze %dma_start3A_178 : memref<1x80x128xf32, #tpu.memory_space<vmem>> -> memref<80x128xf32, #tpu.memory_space<vmem>>
    %dma_start3A_180 = arith.constant 0 : i32
    %dma_start3A_181 = tpu.memref_slice %arg3[%add3A_173, %dma_start3A_180] : memref<320000x128xf32, #tpu.memory_space<hbm>> -> memref<80x128xf32, #tpu.memory_space<hbm>>
    %dma_start3A_182 = tpu.memref_slice %arg8[%dma_start3A_175] : memref<3x!tpu.dma_semaphore, #tpu.memory_space<semaphore_mem>> -> memref<1x!tpu.dma_semaphore, #tpu.memory_space<semaphore_mem>>
    %dma_start3A_183 = tpu.memref_squeeze %dma_start3A_182 : memref<1x!tpu.dma_semaphore, #tpu.memory_space<semaphore_mem>> -> memref<!tpu.dma_semaphore, #tpu.memory_space<semaphore_mem>>
    %dma_start3A_184 = arith.constant 0 : i32
    %dma_start3A_185 = arith.constant 0 : i32
    %dma_start3A_186 = tpu.memref_slice %arg6[%dma_start3A_174, %dma_start3A_184, %dma_start3A_185] : memref<3x80x128xf32, #tpu.memory_space<vmem>> -> memref<1x80x128xf32, #tpu.memory_space<vmem>>
    %dma_start3A_187 = tpu.memref_squeeze %dma_start3A_186 : memref<1x80x128xf32, #tpu.memory_space<vmem>> -> memref<80x128xf32, #tpu.memory_space<vmem>>
    %dma_start3A_188 = arith.constant 0 : i32
    %dma_start3A_189 = tpu.memref_slice %arg3[%add3A_173, %dma_start3A_188] : memref<320000x128xf32, #tpu.memory_space<hbm>> -> memref<80x128xf32, #tpu.memory_space<hbm>>
    tpu.enqueue_dma source(%dma_start3A_189 : memref<80x128xf32, #tpu.memory_space<hbm>>) target(%dma_start3A_187 : memref<80x128xf32, #tpu.memory_space<vmem>>) target_semaphore(%dma_start3A_183 : memref<!tpu.dma_semaphore, #tpu.memory_space<semaphore_mem>>)
    %add3A_190 = arith.constant 160 : i32
    %add3A_191 = arith.addi %mul3A_2, %add3A_190 : i32
    %dma_wait3A_192 = arith.constant 2 : i32
    %dma_wait3A_193 = arith.constant 2 : i32
    %dma_wait3A_194 = arith.constant 0 : i32
    %dma_wait3A_195 = arith.constant 0 : i32
    %dma_wait3A_196 = tpu.memref_slice %arg6[%dma_wait3A_192, %dma_wait3A_194, %dma_wait3A_195] : memref<3x80x128xf32, #tpu.memory_space<vmem>> -> memref<1x80x128xf32, #tpu.memory_space<vmem>>
    %dma_wait3A_197 = tpu.memref_squeeze %dma_wait3A_196 : memref<1x80x128xf32, #tpu.memory_space<vmem>> -> memref<80x128xf32, #tpu.memory_space<vmem>>
    %dma_wait3A_198 = arith.constant 0 : i32
    %dma_wait3A_199 = tpu.memref_slice %arg3[%add3A_191, %dma_wait3A_198] : memref<320000x128xf32, #tpu.memory_space<hbm>> -> memref<80x128xf32, #tpu.memory_space<hbm>>
    %dma_wait3A_200 = tpu.memref_slice %arg8[%dma_wait3A_193] : memref<3x!tpu.dma_semaphore, #tpu.memory_space<semaphore_mem>> -> memref<1x!tpu.dma_semaphore, #tpu.memory_space<semaphore_mem>>
    %dma_wait3A_201 = tpu.memref_squeeze %dma_wait3A_200 : memref<1x!tpu.dma_semaphore, #tpu.memory_space<semaphore_mem>> -> memref<!tpu.dma_semaphore, #tpu.memory_space<semaphore_mem>>
    %dma_wait3A_202 = arith.constant 0 : i32
    %dma_wait3A_203 = arith.constant 0 : i32
    %dma_wait3A_204 = tpu.memref_slice %arg6[%dma_wait3A_192, %dma_wait3A_202, %dma_wait3A_203] : memref<3x80x128xf32, #tpu.memory_space<vmem>> -> memref<1x80x128xf32, #tpu.memory_space<vmem>>
    %dma_wait3A_205 = tpu.memref_squeeze %dma_wait3A_204 : memref<1x80x128xf32, #tpu.memory_space<vmem>> -> memref<80x128xf32, #tpu.memory_space<vmem>>
    %dma_wait3A_206 = arith.constant 0 : i32
    %dma_wait3A_207 = tpu.memref_slice %arg3[%add3A_191, %dma_wait3A_206] : memref<320000x128xf32, #tpu.memory_space<hbm>> -> memref<80x128xf32, #tpu.memory_space<hbm>>
    tpu.wait_dma2 semaphore(%dma_wait3A_201 : memref<!tpu.dma_semaphore, #tpu.memory_space<semaphore_mem>>) src(%dma_wait3A_207 : memref<80x128xf32, #tpu.memory_space<hbm>>) dst(%dma_wait3A_205 : memref<80x128xf32, #tpu.memory_space<vmem>>)
    %dma_start3A_208 = arith.constant 2 : i32
    %dma_start3A_209 = arith.constant 2 : i32
    %dma_start3A_210 = arith.constant 2 : i32
    %dma_start3A_211 = arith.constant 0 : i32
    %dma_start3A_212 = arith.constant 0 : i32
    %dma_start3A_213 = tpu.memref_slice %arg6[%dma_start3A_208, %dma_start3A_211, %dma_start3A_212] : memref<3x80x128xf32, #tpu.memory_space<vmem>> -> memref<1x80x128xf32, #tpu.memory_space<vmem>>
    %dma_start3A_214 = tpu.memref_squeeze %dma_start3A_213 : memref<1x80x128xf32, #tpu.memory_space<vmem>> -> memref<80x128xf32, #tpu.memory_space<vmem>>
    %dma_start3A_215 = arith.constant 0 : i32
    %dma_start3A_216 = tpu.memref_slice %arg5[%dma_start3A_209, %dma_start3A_215] : memref<125x80xi32, #tpu.memory_space<vmem>> -> memref<1x80xi32, #tpu.memory_space<vmem>>
    %dma_start3A_217 = tpu.memref_squeeze %dma_start3A_216 : memref<1x80xi32, #tpu.memory_space<vmem>> -> memref<80xi32, #tpu.memory_space<vmem>>
    %dma_start3A_218 = arith.constant 0 : i32
    %dma_start3A_219 = arith.constant 0 : i32
    %dma_start3A_220 = tpu.memref_slice %arg7[%dma_start3A_218, %dma_start3A_219] : memref<10240x128xf32, #tpu.memory_space<vmem_shared>> -> memref<10240x128xf32, #tpu.memory_space<vmem_shared>>
    %dma_start3A_221 = tpu.memref_slice %arg9[%dma_start3A_210] : memref<3x!tpu.dma_semaphore, #tpu.memory_space<semaphore_mem>> -> memref<1x!tpu.dma_semaphore, #tpu.memory_space<semaphore_mem>>
    %dma_start3A_222 = tpu.memref_squeeze %dma_start3A_221 : memref<1x!tpu.dma_semaphore, #tpu.memory_space<semaphore_mem>> -> memref<!tpu.dma_semaphore, #tpu.memory_space<semaphore_mem>>
    tpu.enqueue_indirect_dma source(%dma_start3A_214 : memref<80x128xf32, #tpu.memory_space<vmem>>) target(%dma_start3A_220 : memref<10240x128xf32, #tpu.memory_space<vmem_shared>>) offsets(%dma_start3A_217 : memref<80xi32, #tpu.memory_space<vmem>>) semaphore(%dma_start3A_222 : memref<!tpu.dma_semaphore, #tpu.memory_space<semaphore_mem>>) {add = true}
    %dma_wait3A_223 = arith.constant 1 : i32
    %dma_wait3A_224 = arith.constant 1 : i32
    %dma_wait3A_225 = arith.constant 1 : i32
    %dma_wait3A_226 = arith.constant 0 : i32
    %dma_wait3A_227 = arith.constant 0 : i32
    %dma_wait3A_228 = tpu.memref_slice %arg6[%dma_wait3A_223, %dma_wait3A_226, %dma_wait3A_227] : memref<3x80x128xf32, #tpu.memory_space<vmem>> -> memref<1x80x128xf32, #tpu.memory_space<vmem>>
    %dma_wait3A_229 = tpu.memref_squeeze %dma_wait3A_228 : memref<1x80x128xf32, #tpu.memory_space<vmem>> -> memref<80x128xf32, #tpu.memory_space<vmem>>
    %dma_wait3A_230 = arith.constant 0 : i32
    %dma_wait3A_231 = tpu.memref_slice %arg5[%dma_wait3A_224, %dma_wait3A_230] : memref<125x80xi32, #tpu.memory_space<vmem>> -> memref<1x80xi32, #tpu.memory_space<vmem>>
    %dma_wait3A_232 = tpu.memref_squeeze %dma_wait3A_231 : memref<1x80xi32, #tpu.memory_space<vmem>> -> memref<80xi32, #tpu.memory_space<vmem>>
    %dma_wait3A_233 = arith.constant 0 : i32
    %dma_wait3A_234 = arith.constant 0 : i32
    %dma_wait3A_235 = tpu.memref_slice %arg7[%dma_wait3A_233, %dma_wait3A_234] : memref<10240x128xf32, #tpu.memory_space<vmem_shared>> -> memref<10240x128xf32, #tpu.memory_space<vmem_shared>>
    %dma_wait3A_236 = tpu.memref_slice %arg9[%dma_wait3A_225] : memref<3x!tpu.dma_semaphore, #tpu.memory_space<semaphore_mem>> -> memref<1x!tpu.dma_semaphore, #tpu.memory_space<semaphore_mem>>
    %dma_wait3A_237 = tpu.memref_squeeze %dma_wait3A_236 : memref<1x!tpu.dma_semaphore, #tpu.memory_space<semaphore_mem>> -> memref<!tpu.dma_semaphore, #tpu.memory_space<semaphore_mem>>
    tpu.wait_indirect_dma semaphore(%dma_wait3A_237 : memref<!tpu.dma_semaphore, #tpu.memory_space<semaphore_mem>>) src(%dma_wait3A_229 : memref<80x128xf32, #tpu.memory_space<vmem>>) dst(%dma_wait3A_235 : memref<10240x128xf32, #tpu.memory_space<vmem_shared>>)
    %add3A_238 = arith.constant 320 : i32
    %add3A_239 = arith.addi %mul3A_2, %add3A_238 : i32
    %dma_start3A_240 = arith.constant 1 : i32
    %dma_start3A_241 = arith.constant 1 : i32
    %dma_start3A_242 = arith.constant 0 : i32
    %dma_start3A_243 = arith.constant 0 : i32
    %dma_start3A_244 = tpu.memref_slice %arg6[%dma_start3A_240, %dma_start3A_242, %dma_start3A_243] : memref<3x80x128xf32, #tpu.memory_space<vmem>> -> memref<1x80x128xf32, #tpu.memory_space<vmem>>
    %dma_start3A_245 = tpu.memref_squeeze %dma_start3A_244 : memref<1x80x128xf32, #tpu.memory_space<vmem>> -> memref<80x128xf32, #tpu.memory_space<vmem>>
    %dma_start3A_246 = arith.constant 0 : i32
    %dma_start3A_247 = tpu.memref_slice %arg3[%add3A_239, %dma_start3A_246] : memref<320000x128xf32, #tpu.memory_space<hbm>> -> memref<80x128xf32, #tpu.memory_space<hbm>>
    %dma_start3A_248 = tpu.memref_slice %arg8[%dma_start3A_241] : memref<3x!tpu.dma_semaphore, #tpu.memory_space<semaphore_mem>> -> memref<1x!tpu.dma_semaphore, #tpu.memory_space<semaphore_mem>>
    %dma_start3A_249 = tpu.memref_squeeze %dma_start3A_248 : memref<1x!tpu.dma_semaphore, #tpu.memory_space<semaphore_mem>> -> memref<!tpu.dma_semaphore, #tpu.memory_space<semaphore_mem>>
    %dma_start3A_250 = arith.constant 0 : i32
    %dma_start3A_251 = arith.constant 0 : i32
    %dma_start3A_252 = tpu.memref_slice %arg6[%dma_start3A_240, %dma_start3A_250, %dma_start3A_251] : memref<3x80x128xf32, #tpu.memory_space<vmem>> -> memref<1x80x128xf32, #tpu.memory_space<vmem>>
    %dma_start3A_253 = tpu.memref_squeeze %dma_start3A_252 : memref<1x80x128xf32, #tpu.memory_space<vmem>> -> memref<80x128xf32, #tpu.memory_space<vmem>>
    %dma_start3A_254 = arith.constant 0 : i32
    %dma_start3A_255 = tpu.memref_slice %arg3[%add3A_239, %dma_start3A_254] : memref<320000x128xf32, #tpu.memory_space<hbm>> -> memref<80x128xf32, #tpu.memory_space<hbm>>
    tpu.enqueue_dma source(%dma_start3A_255 : memref<80x128xf32, #tpu.memory_space<hbm>>) target(%dma_start3A_253 : memref<80x128xf32, #tpu.memory_space<vmem>>) target_semaphore(%dma_start3A_249 : memref<!tpu.dma_semaphore, #tpu.memory_space<semaphore_mem>>)
    %scan3A_256 = arith.constant 0 : i32
    %scan3A_257 = arith.constant 0 : i32
    %scan3A_258 = arith.constant 40 : i32
    %scan3A_259 = arith.addi %scan3A_257, %scan3A_258 : i32
    %scan3A_260 = arith.constant 1 : i32
    scf.for %scan3A_950 = %scan3A_257 to %scan3A_259 step %scan3A_260  : i32 {
      %mul3A_951 = arith.constant 3 : i32
      %mul3A_952 = arith.muli %scan3A_950, %mul3A_951 : i32
      %add3A_953 = arith.constant 3 : i32
      %add3A_954 = arith.addi %add3A_953, %mul3A_952 : i32
      %add3A_955 = arith.constant 0 : i32
      %add3A_956 = arith.addi %add3A_954, %add3A_955 : i32
      %mul3A_957 = arith.constant 80 : i32
      %mul3A_958 = arith.muli %add3A_956, %mul3A_957 : i32
      %add3A_959 = arith.addi %mul3A_2, %mul3A_958 : i32
      %dma_wait3A_960 = arith.constant 0 : i32
      %dma_wait3A_961 = arith.constant 0 : i32
      %dma_wait3A_962 = arith.constant 0 : i32
      %dma_wait3A_963 = arith.constant 0 : i32
      %dma_wait3A_964 = tpu.memref_slice %arg6[%dma_wait3A_960, %dma_wait3A_962, %dma_wait3A_963] : memref<3x80x128xf32, #tpu.memory_space<vmem>> -> memref<1x80x128xf32, #tpu.memory_space<vmem>>
      %dma_wait3A_965 = tpu.memref_squeeze %dma_wait3A_964 : memref<1x80x128xf32, #tpu.memory_space<vmem>> -> memref<80x128xf32, #tpu.memory_space<vmem>>
      %dma_wait3A_966 = arith.constant 0 : i32
      %dma_wait3A_967 = tpu.memref_slice %arg3[%add3A_959, %dma_wait3A_966] : memref<320000x128xf32, #tpu.memory_space<hbm>> -> memref<80x128xf32, #tpu.memory_space<hbm>>
      %dma_wait3A_968 = tpu.memref_slice %arg8[%dma_wait3A_961] : memref<3x!tpu.dma_semaphore, #tpu.memory_space<semaphore_mem>> -> memref<1x!tpu.dma_semaphore, #tpu.memory_space<semaphore_mem>>
      %dma_wait3A_969 = tpu.memref_squeeze %dma_wait3A_968 : memref<1x!tpu.dma_semaphore, #tpu.memory_space<semaphore_mem>> -> memref<!tpu.dma_semaphore, #tpu.memory_space<semaphore_mem>>
      %dma_wait3A_970 = arith.constant 0 : i32
      %dma_wait3A_971 = arith.constant 0 : i32
      %dma_wait3A_972 = tpu.memref_slice %arg6[%dma_wait3A_960, %dma_wait3A_970, %dma_wait3A_971] : memref<3x80x128xf32, #tpu.memory_space<vmem>> -> memref<1x80x128xf32, #tpu.memory_space<vmem>>
      %dma_wait3A_973 = tpu.memref_squeeze %dma_wait3A_972 : memref<1x80x128xf32, #tpu.memory_space<vmem>> -> memref<80x128xf32, #tpu.memory_space<vmem>>
      %dma_wait3A_974 = arith.constant 0 : i32
      %dma_wait3A_975 = tpu.memref_slice %arg3[%add3A_959, %dma_wait3A_974] : memref<320000x128xf32, #tpu.memory_space<hbm>> -> memref<80x128xf32, #tpu.memory_space<hbm>>
      tpu.wait_dma2 semaphore(%dma_wait3A_969 : memref<!tpu.dma_semaphore, #tpu.memory_space<semaphore_mem>>) src(%dma_wait3A_975 : memref<80x128xf32, #tpu.memory_space<hbm>>) dst(%dma_wait3A_973 : memref<80x128xf32, #tpu.memory_space<vmem>>)
      %dma_start3A_976 = arith.constant 0 : i32
      %dma_start3A_977 = arith.constant 0 : i32
      %dma_start3A_978 = arith.constant 0 : i32
      %dma_start3A_979 = arith.constant 0 : i32
      %dma_start3A_980 = tpu.memref_slice %arg6[%dma_start3A_976, %dma_start3A_978, %dma_start3A_979] : memref<3x80x128xf32, #tpu.memory_space<vmem>> -> memref<1x80x128xf32, #tpu.memory_space<vmem>>
      %dma_start3A_981 = tpu.memref_squeeze %dma_start3A_980 : memref<1x80x128xf32, #tpu.memory_space<vmem>> -> memref<80x128xf32, #tpu.memory_space<vmem>>
      %dma_start3A_982 = arith.constant 0 : i32
      %dma_start3A_983 = tpu.memref_slice %arg5[%add3A_956, %dma_start3A_982] : memref<125x80xi32, #tpu.memory_space<vmem>> -> memref<1x80xi32, #tpu.memory_space<vmem>>
      %dma_start3A_984 = tpu.memref_squeeze %dma_start3A_983 : memref<1x80xi32, #tpu.memory_space<vmem>> -> memref<80xi32, #tpu.memory_space<vmem>>
      %dma_start3A_985 = arith.constant 0 : i32
      %dma_start3A_986 = arith.constant 0 : i32
      %dma_start3A_987 = tpu.memref_slice %arg7[%dma_start3A_985, %dma_start3A_986] : memref<10240x128xf32, #tpu.memory_space<vmem_shared>> -> memref<10240x128xf32, #tpu.memory_space<vmem_shared>>
      %dma_start3A_988 = tpu.memref_slice %arg9[%dma_start3A_977] : memref<3x!tpu.dma_semaphore, #tpu.memory_space<semaphore_mem>> -> memref<1x!tpu.dma_semaphore, #tpu.memory_space<semaphore_mem>>
      %dma_start3A_989 = tpu.memref_squeeze %dma_start3A_988 : memref<1x!tpu.dma_semaphore, #tpu.memory_space<semaphore_mem>> -> memref<!tpu.dma_semaphore, #tpu.memory_space<semaphore_mem>>
      tpu.enqueue_indirect_dma source(%dma_start3A_981 : memref<80x128xf32, #tpu.memory_space<vmem>>) target(%dma_start3A_987 : memref<10240x128xf32, #tpu.memory_space<vmem_shared>>) offsets(%dma_start3A_984 : memref<80xi32, #tpu.memory_space<vmem>>) semaphore(%dma_start3A_989 : memref<!tpu.dma_semaphore, #tpu.memory_space<semaphore_mem>>) {add = true}
      %sub3A = arith.constant 1 : i32
      %sub3A_990 = arith.subi %add3A_956, %sub3A : i32
      %dma_wait3A_991 = arith.constant 2 : i32
      %dma_wait3A_992 = arith.constant 2 : i32
      %dma_wait3A_993 = arith.constant 0 : i32
      %dma_wait3A_994 = arith.constant 0 : i32
      %dma_wait3A_995 = tpu.memref_slice %arg6[%dma_wait3A_991, %dma_wait3A_993, %dma_wait3A_994] : memref<3x80x128xf32, #tpu.memory_space<vmem>> -> memref<1x80x128xf32, #tpu.memory_space<vmem>>
      %dma_wait3A_996 = tpu.memref_squeeze %dma_wait3A_995 : memref<1x80x128xf32, #tpu.memory_space<vmem>> -> memref<80x128xf32, #tpu.memory_space<vmem>>
      %dma_wait3A_997 = arith.constant 0 : i32
      %dma_wait3A_998 = tpu.memref_slice %arg5[%sub3A_990, %dma_wait3A_997] : memref<125x80xi32, #tpu.memory_space<vmem>> -> memref<1x80xi32, #tpu.memory_space<vmem>>
      %dma_wait3A_999 = tpu.memref_squeeze %dma_wait3A_998 : memref<1x80xi32, #tpu.memory_space<vmem>> -> memref<80xi32, #tpu.memory_space<vmem>>
      %dma_wait3A_1000 = arith.constant 0 : i32
      %dma_wait3A_1001 = arith.constant 0 : i32
      %dma_wait3A_1002 = tpu.memref_slice %arg7[%dma_wait3A_1000, %dma_wait3A_1001] : memref<10240x128xf32, #tpu.memory_space<vmem_shared>> -> memref<10240x128xf32, #tpu.memory_space<vmem_shared>>
      %dma_wait3A_1003 = tpu.memref_slice %arg9[%dma_wait3A_992] : memref<3x!tpu.dma_semaphore, #tpu.memory_space<semaphore_mem>> -> memref<1x!tpu.dma_semaphore, #tpu.memory_space<semaphore_mem>>
      %dma_wait3A_1004 = tpu.memref_squeeze %dma_wait3A_1003 : memref<1x!tpu.dma_semaphore, #tpu.memory_space<semaphore_mem>> -> memref<!tpu.dma_semaphore, #tpu.memory_space<semaphore_mem>>
      tpu.wait_indirect_dma semaphore(%dma_wait3A_1004 : memref<!tpu.dma_semaphore, #tpu.memory_space<semaphore_mem>>) src(%dma_wait3A_996 : memref<80x128xf32, #tpu.memory_space<vmem>>) dst(%dma_wait3A_1002 : memref<10240x128xf32, #tpu.memory_space<vmem_shared>>)
      %add3A_1005 = arith.constant 3 : i32
      %add3A_1006 = arith.addi %add3A_956, %add3A_1005 : i32
      %sub3A_1007 = arith.constant 1 : i32
      %sub3A_1008 = arith.subi %add3A_1006, %sub3A_1007 : i32
      %mul3A_1009 = arith.constant 80 : i32
      %mul3A_1010 = arith.muli %sub3A_1008, %mul3A_1009 : i32
      %add3A_1011 = arith.addi %mul3A_2, %mul3A_1010 : i32
      %dma_start3A_1012 = arith.constant 2 : i32
      %dma_start3A_1013 = arith.constant 2 : i32
      %dma_start3A_1014 = arith.constant 0 : i32
      %dma_start3A_1015 = arith.constant 0 : i32
      %dma_start3A_1016 = tpu.memref_slice %arg6[%dma_start3A_1012, %dma_start3A_1014, %dma_start3A_1015] : memref<3x80x128xf32, #tpu.memory_space<vmem>> -> memref<1x80x128xf32, #tpu.memory_space<vmem>>
      %dma_start3A_1017 = tpu.memref_squeeze %dma_start3A_1016 : memref<1x80x128xf32, #tpu.memory_space<vmem>> -> memref<80x128xf32, #tpu.memory_space<vmem>>
      %dma_start3A_1018 = arith.constant 0 : i32
      %dma_start3A_1019 = tpu.memref_slice %arg3[%add3A_1011, %dma_start3A_1018] : memref<320000x128xf32, #tpu.memory_space<hbm>> -> memref<80x128xf32, #tpu.memory_space<hbm>>
      %dma_start3A_1020 = tpu.memref_slice %arg8[%dma_start3A_1013] : memref<3x!tpu.dma_semaphore, #tpu.memory_space<semaphore_mem>> -> memref<1x!tpu.dma_semaphore, #tpu.memory_space<semaphore_mem>>
      %dma_start3A_1021 = tpu.memref_squeeze %dma_start3A_1020 : memref<1x!tpu.dma_semaphore, #tpu.memory_space<semaphore_mem>> -> memref<!tpu.dma_semaphore, #tpu.memory_space<semaphore_mem>>
      %dma_start3A_1022 = arith.constant 0 : i32
      %dma_start3A_1023 = arith.constant 0 : i32
      %dma_start3A_1024 = tpu.memref_slice %arg6[%dma_start3A_1012, %dma_start3A_1022, %dma_start3A_1023] : memref<3x80x128xf32, #tpu.memory_space<vmem>> -> memref<1x80x128xf32, #tpu.memory_space<vmem>>
      %dma_start3A_1025 = tpu.memref_squeeze %dma_start3A_1024 : memref<1x80x128xf32, #tpu.memory_space<vmem>> -> memref<80x128xf32, #tpu.memory_space<vmem>>
      %dma_start3A_1026 = arith.constant 0 : i32
      %dma_start3A_1027 = tpu.memref_slice %arg3[%add3A_1011, %dma_start3A_1026] : memref<320000x128xf32, #tpu.memory_space<hbm>> -> memref<80x128xf32, #tpu.memory_space<hbm>>
      tpu.enqueue_dma source(%dma_start3A_1027 : memref<80x128xf32, #tpu.memory_space<hbm>>) target(%dma_start3A_1025 : memref<80x128xf32, #tpu.memory_space<vmem>>) target_semaphore(%dma_start3A_1021 : memref<!tpu.dma_semaphore, #tpu.memory_space<semaphore_mem>>)
      %add3A_1028 = arith.constant 1 : i32
      %add3A_1029 = arith.addi %add3A_954, %add3A_1028 : i32
      %mul3A_1030 = arith.constant 80 : i32
      %mul3A_1031 = arith.muli %add3A_1029, %mul3A_1030 : i32
      %add3A_1032 = arith.addi %mul3A_2, %mul3A_1031 : i32
      %dma_wait3A_1033 = arith.constant 1 : i32
      %dma_wait3A_1034 = arith.constant 1 : i32
      %dma_wait3A_1035 = arith.constant 0 : i32
      %dma_wait3A_1036 = arith.constant 0 : i32
      %dma_wait3A_1037 = tpu.memref_slice %arg6[%dma_wait3A_1033, %dma_wait3A_1035, %dma_wait3A_1036] : memref<3x80x128xf32, #tpu.memory_space<vmem>> -> memref<1x80x128xf32, #tpu.memory_space<vmem>>
      %dma_wait3A_1038 = tpu.memref_squeeze %dma_wait3A_1037 : memref<1x80x128xf32, #tpu.memory_space<vmem>> -> memref<80x128xf32, #tpu.memory_space<vmem>>
      %dma_wait3A_1039 = arith.constant 0 : i32
      %dma_wait3A_1040 = tpu.memref_slice %arg3[%add3A_1032, %dma_wait3A_1039] : memref<320000x128xf32, #tpu.memory_space<hbm>> -> memref<80x128xf32, #tpu.memory_space<hbm>>
      %dma_wait3A_1041 = tpu.memref_slice %arg8[%dma_wait3A_1034] : memref<3x!tpu.dma_semaphore, #tpu.memory_space<semaphore_mem>> -> memref<1x!tpu.dma_semaphore, #tpu.memory_space<semaphore_mem>>
      %dma_wait3A_1042 = tpu.memref_squeeze %dma_wait3A_1041 : memref<1x!tpu.dma_semaphore, #tpu.memory_space<semaphore_mem>> -> memref<!tpu.dma_semaphore, #tpu.memory_space<semaphore_mem>>
      %dma_wait3A_1043 = arith.constant 0 : i32
      %dma_wait3A_1044 = arith.constant 0 : i32
      %dma_wait3A_1045 = tpu.memref_slice %arg6[%dma_wait3A_1033, %dma_wait3A_1043, %dma_wait3A_1044] : memref<3x80x128xf32, #tpu.memory_space<vmem>> -> memref<1x80x128xf32, #tpu.memory_space<vmem>>
      %dma_wait3A_1046 = tpu.memref_squeeze %dma_wait3A_1045 : memref<1x80x128xf32, #tpu.memory_space<vmem>> -> memref<80x128xf32, #tpu.memory_space<vmem>>
      %dma_wait3A_1047 = arith.constant 0 : i32
      %dma_wait3A_1048 = tpu.memref_slice %arg3[%add3A_1032, %dma_wait3A_1047] : memref<320000x128xf32, #tpu.memory_space<hbm>> -> memref<80x128xf32, #tpu.memory_space<hbm>>
      tpu.wait_dma2 semaphore(%dma_wait3A_1042 : memref<!tpu.dma_semaphore, #tpu.memory_space<semaphore_mem>>) src(%dma_wait3A_1048 : memref<80x128xf32, #tpu.memory_space<hbm>>) dst(%dma_wait3A_1046 : memref<80x128xf32, #tpu.memory_space<vmem>>)
      %dma_start3A_1049 = arith.constant 1 : i32
      %dma_start3A_1050 = arith.constant 1 : i32
      %dma_start3A_1051 = arith.constant 0 : i32
      %dma_start3A_1052 = arith.constant 0 : i32
      %dma_start3A_1053 = tpu.memref_slice %arg6[%dma_start3A_1049, %dma_start3A_1051, %dma_start3A_1052] : memref<3x80x128xf32, #tpu.memory_space<vmem>> -> memref<1x80x128xf32, #tpu.memory_space<vmem>>
      %dma_start3A_1054 = tpu.memref_squeeze %dma_start3A_1053 : memref<1x80x128xf32, #tpu.memory_space<vmem>> -> memref<80x128xf32, #tpu.memory_space<vmem>>
      %dma_start3A_1055 = arith.constant 0 : i32
      %dma_start3A_1056 = tpu.memref_slice %arg5[%add3A_1029, %dma_start3A_1055] : memref<125x80xi32, #tpu.memory_space<vmem>> -> memref<1x80xi32, #tpu.memory_space<vmem>>
      %dma_start3A_1057 = tpu.memref_squeeze %dma_start3A_1056 : memref<1x80xi32, #tpu.memory_space<vmem>> -> memref<80xi32, #tpu.memory_space<vmem>>
      %dma_start3A_1058 = arith.constant 0 : i32
      %dma_start3A_1059 = arith.constant 0 : i32
      %dma_start3A_1060 = tpu.memref_slice %arg7[%dma_start3A_1058, %dma_start3A_1059] : memref<10240x128xf32, #tpu.memory_space<vmem_shared>> -> memref<10240x128xf32, #tpu.memory_space<vmem_shared>>
      %dma_start3A_1061 = tpu.memref_slice %arg9[%dma_start3A_1050] : memref<3x!tpu.dma_semaphore, #tpu.memory_space<semaphore_mem>> -> memref<1x!tpu.dma_semaphore, #tpu.memory_space<semaphore_mem>>
      %dma_start3A_1062 = tpu.memref_squeeze %dma_start3A_1061 : memref<1x!tpu.dma_semaphore, #tpu.memory_space<semaphore_mem>> -> memref<!tpu.dma_semaphore, #tpu.memory_space<semaphore_mem>>
      tpu.enqueue_indirect_dma source(%dma_start3A_1054 : memref<80x128xf32, #tpu.memory_space<vmem>>) target(%dma_start3A_1060 : memref<10240x128xf32, #tpu.memory_space<vmem_shared>>) offsets(%dma_start3A_1057 : memref<80xi32, #tpu.memory_space<vmem>>) semaphore(%dma_start3A_1062 : memref<!tpu.dma_semaphore, #tpu.memory_space<semaphore_mem>>) {add = true}
      %sub3A_1063 = arith.constant 1 : i32
      %sub3A_1064 = arith.subi %add3A_1029, %sub3A_1063 : i32
      %dma_wait3A_1065 = arith.constant 0 : i32
      %dma_wait3A_1066 = arith.constant 0 : i32
      %dma_wait3A_1067 = arith.constant 0 : i32
      %dma_wait3A_1068 = arith.constant 0 : i32
      %dma_wait3A_1069 = tpu.memref_slice %arg6[%dma_wait3A_1065, %dma_wait3A_1067, %dma_wait3A_1068] : memref<3x80x128xf32, #tpu.memory_space<vmem>> -> memref<1x80x128xf32, #tpu.memory_space<vmem>>
      %dma_wait3A_1070 = tpu.memref_squeeze %dma_wait3A_1069 : memref<1x80x128xf32, #tpu.memory_space<vmem>> -> memref<80x128xf32, #tpu.memory_space<vmem>>
      %dma_wait3A_1071 = arith.constant 0 : i32
      %dma_wait3A_1072 = tpu.memref_slice %arg5[%sub3A_1064, %dma_wait3A_1071] : memref<125x80xi32, #tpu.memory_space<vmem>> -> memref<1x80xi32, #tpu.memory_space<vmem>>
      %dma_wait3A_1073 = tpu.memref_squeeze %dma_wait3A_1072 : memref<1x80xi32, #tpu.memory_space<vmem>> -> memref<80xi32, #tpu.memory_space<vmem>>
      %dma_wait3A_1074 = arith.constant 0 : i32
      %dma_wait3A_1075 = arith.constant 0 : i32
      %dma_wait3A_1076 = tpu.memref_slice %arg7[%dma_wait3A_1074, %dma_wait3A_1075] : memref<10240x128xf32, #tpu.memory_space<vmem_shared>> -> memref<10240x128xf32, #tpu.memory_space<vmem_shared>>
      %dma_wait3A_1077 = tpu.memref_slice %arg9[%dma_wait3A_1066] : memref<3x!tpu.dma_semaphore, #tpu.memory_space<semaphore_mem>> -> memref<1x!tpu.dma_semaphore, #tpu.memory_space<semaphore_mem>>
      %dma_wait3A_1078 = tpu.memref_squeeze %dma_wait3A_1077 : memref<1x!tpu.dma_semaphore, #tpu.memory_space<semaphore_mem>> -> memref<!tpu.dma_semaphore, #tpu.memory_space<semaphore_mem>>
      tpu.wait_indirect_dma semaphore(%dma_wait3A_1078 : memref<!tpu.dma_semaphore, #tpu.memory_space<semaphore_mem>>) src(%dma_wait3A_1070 : memref<80x128xf32, #tpu.memory_space<vmem>>) dst(%dma_wait3A_1076 : memref<10240x128xf32, #tpu.memory_space<vmem_shared>>)
      %add3A_1079 = arith.constant 3 : i32
      %add3A_1080 = arith.addi %add3A_1029, %add3A_1079 : i32
      %sub3A_1081 = arith.constant 1 : i32
      %sub3A_1082 = arith.subi %add3A_1080, %sub3A_1081 : i32
      %mul3A_1083 = arith.constant 80 : i32
      %mul3A_1084 = arith.muli %sub3A_1082, %mul3A_1083 : i32
      %add3A_1085 = arith.addi %mul3A_2, %mul3A_1084 : i32
      %dma_start3A_1086 = arith.constant 0 : i32
      %dma_start3A_1087 = arith.constant 0 : i32
      %dma_start3A_1088 = arith.constant 0 : i32
      %dma_start3A_1089 = arith.constant 0 : i32
      %dma_start3A_1090 = tpu.memref_slice %arg6[%dma_start3A_1086, %dma_start3A_1088, %dma_start3A_1089] : memref<3x80x128xf32, #tpu.memory_space<vmem>> -> memref<1x80x128xf32, #tpu.memory_space<vmem>>
      %dma_start3A_1091 = tpu.memref_squeeze %dma_start3A_1090 : memref<1x80x128xf32, #tpu.memory_space<vmem>> -> memref<80x128xf32, #tpu.memory_space<vmem>>
      %dma_start3A_1092 = arith.constant 0 : i32
      %dma_start3A_1093 = tpu.memref_slice %arg3[%add3A_1085, %dma_start3A_1092] : memref<320000x128xf32, #tpu.memory_space<hbm>> -> memref<80x128xf32, #tpu.memory_space<hbm>>
      %dma_start3A_1094 = tpu.memref_slice %arg8[%dma_start3A_1087] : memref<3x!tpu.dma_semaphore, #tpu.memory_space<semaphore_mem>> -> memref<1x!tpu.dma_semaphore, #tpu.memory_space<semaphore_mem>>
      %dma_start3A_1095 = tpu.memref_squeeze %dma_start3A_1094 : memref<1x!tpu.dma_semaphore, #tpu.memory_space<semaphore_mem>> -> memref<!tpu.dma_semaphore, #tpu.memory_space<semaphore_mem>>
      %dma_start3A_1096 = arith.constant 0 : i32
      %dma_start3A_1097 = arith.constant 0 : i32
      %dma_start3A_1098 = tpu.memref_slice %arg6[%dma_start3A_1086, %dma_start3A_1096, %dma_start3A_1097] : memref<3x80x128xf32, #tpu.memory_space<vmem>> -> memref<1x80x128xf32, #tpu.memory_space<vmem>>
      %dma_start3A_1099 = tpu.memref_squeeze %dma_start3A_1098 : memref<1x80x128xf32, #tpu.memory_space<vmem>> -> memref<80x128xf32, #tpu.memory_space<vmem>>
      %dma_start3A_1100 = arith.constant 0 : i32
      %dma_start3A_1101 = tpu.memref_slice %arg3[%add3A_1085, %dma_start3A_1100] : memref<320000x128xf32, #tpu.memory_space<hbm>> -> memref<80x128xf32, #tpu.memory_space<hbm>>
      tpu.enqueue_dma source(%dma_start3A_1101 : memref<80x128xf32, #tpu.memory_space<hbm>>) target(%dma_start3A_1099 : memref<80x128xf32, #tpu.memory_space<vmem>>) target_semaphore(%dma_start3A_1095 : memref<!tpu.dma_semaphore, #tpu.memory_space<semaphore_mem>>)
      %add3A_1102 = arith.constant 2 : i32
      %add3A_1103 = arith.addi %add3A_954, %add3A_1102 : i32
      %mul3A_1104 = arith.constant 80 : i32
      %mul3A_1105 = arith.muli %add3A_1103, %mul3A_1104 : i32
      %add3A_1106 = arith.addi %mul3A_2, %mul3A_1105 : i32
      %dma_wait3A_1107 = arith.constant 2 : i32
      %dma_wait3A_1108 = arith.constant 2 : i32
      %dma_wait3A_1109 = arith.constant 0 : i32
      %dma_wait3A_1110 = arith.constant 0 : i32
      %dma_wait3A_1111 = tpu.memref_slice %arg6[%dma_wait3A_1107, %dma_wait3A_1109, %dma_wait3A_1110] : memref<3x80x128xf32, #tpu.memory_space<vmem>> -> memref<1x80x128xf32, #tpu.memory_space<vmem>>
      %dma_wait3A_1112 = tpu.memref_squeeze %dma_wait3A_1111 : memref<1x80x128xf32, #tpu.memory_space<vmem>> -> memref<80x128xf32, #tpu.memory_space<vmem>>
      %dma_wait3A_1113 = arith.constant 0 : i32
      %dma_wait3A_1114 = tpu.memref_slice %arg3[%add3A_1106, %dma_wait3A_1113] : memref<320000x128xf32, #tpu.memory_space<hbm>> -> memref<80x128xf32, #tpu.memory_space<hbm>>
      %dma_wait3A_1115 = tpu.memref_slice %arg8[%dma_wait3A_1108] : memref<3x!tpu.dma_semaphore, #tpu.memory_space<semaphore_mem>> -> memref<1x!tpu.dma_semaphore, #tpu.memory_space<semaphore_mem>>
      %dma_wait3A_1116 = tpu.memref_squeeze %dma_wait3A_1115 : memref<1x!tpu.dma_semaphore, #tpu.memory_space<semaphore_mem>> -> memref<!tpu.dma_semaphore, #tpu.memory_space<semaphore_mem>>
      %dma_wait3A_1117 = arith.constant 0 : i32
      %dma_wait3A_1118 = arith.constant 0 : i32
      %dma_wait3A_1119 = tpu.memref_slice %arg6[%dma_wait3A_1107, %dma_wait3A_1117, %dma_wait3A_1118] : memref<3x80x128xf32, #tpu.memory_space<vmem>> -> memref<1x80x128xf32, #tpu.memory_space<vmem>>
      %dma_wait3A_1120 = tpu.memref_squeeze %dma_wait3A_1119 : memref<1x80x128xf32, #tpu.memory_space<vmem>> -> memref<80x128xf32, #tpu.memory_space<vmem>>
      %dma_wait3A_1121 = arith.constant 0 : i32
      %dma_wait3A_1122 = tpu.memref_slice %arg3[%add3A_1106, %dma_wait3A_1121] : memref<320000x128xf32, #tpu.memory_space<hbm>> -> memref<80x128xf32, #tpu.memory_space<hbm>>
      tpu.wait_dma2 semaphore(%dma_wait3A_1116 : memref<!tpu.dma_semaphore, #tpu.memory_space<semaphore_mem>>) src(%dma_wait3A_1122 : memref<80x128xf32, #tpu.memory_space<hbm>>) dst(%dma_wait3A_1120 : memref<80x128xf32, #tpu.memory_space<vmem>>)
      %dma_start3A_1123 = arith.constant 2 : i32
      %dma_start3A_1124 = arith.constant 2 : i32
      %dma_start3A_1125 = arith.constant 0 : i32
      %dma_start3A_1126 = arith.constant 0 : i32
      %dma_start3A_1127 = tpu.memref_slice %arg6[%dma_start3A_1123, %dma_start3A_1125, %dma_start3A_1126] : memref<3x80x128xf32, #tpu.memory_space<vmem>> -> memref<1x80x128xf32, #tpu.memory_space<vmem>>
      %dma_start3A_1128 = tpu.memref_squeeze %dma_start3A_1127 : memref<1x80x128xf32, #tpu.memory_space<vmem>> -> memref<80x128xf32, #tpu.memory_space<vmem>>
      %dma_start3A_1129 = arith.constant 0 : i32
      %dma_start3A_1130 = tpu.memref_slice %arg5[%add3A_1103, %dma_start3A_1129] : memref<125x80xi32, #tpu.memory_space<vmem>> -> memref<1x80xi32, #tpu.memory_space<vmem>>
      %dma_start3A_1131 = tpu.memref_squeeze %dma_start3A_1130 : memref<1x80xi32, #tpu.memory_space<vmem>> -> memref<80xi32, #tpu.memory_space<vmem>>
      %dma_start3A_1132 = arith.constant 0 : i32
      %dma_start3A_1133 = arith.constant 0 : i32
      %dma_start3A_1134 = tpu.memref_slice %arg7[%dma_start3A_1132, %dma_start3A_1133] : memref<10240x128xf32, #tpu.memory_space<vmem_shared>> -> memref<10240x128xf32, #tpu.memory_space<vmem_shared>>
      %dma_start3A_1135 = tpu.memref_slice %arg9[%dma_start3A_1124] : memref<3x!tpu.dma_semaphore, #tpu.memory_space<semaphore_mem>> -> memref<1x!tpu.dma_semaphore, #tpu.memory_space<semaphore_mem>>
      %dma_start3A_1136 = tpu.memref_squeeze %dma_start3A_1135 : memref<1x!tpu.dma_semaphore, #tpu.memory_space<semaphore_mem>> -> memref<!tpu.dma_semaphore, #tpu.memory_space<semaphore_mem>>
      tpu.enqueue_indirect_dma source(%dma_start3A_1128 : memref<80x128xf32, #tpu.memory_space<vmem>>) target(%dma_start3A_1134 : memref<10240x128xf32, #tpu.memory_space<vmem_shared>>) offsets(%dma_start3A_1131 : memref<80xi32, #tpu.memory_space<vmem>>) semaphore(%dma_start3A_1136 : memref<!tpu.dma_semaphore, #tpu.memory_space<semaphore_mem>>) {add = true}
      %sub3A_1137 = arith.constant 1 : i32
      %sub3A_1138 = arith.subi %add3A_1103, %sub3A_1137 : i32
      %dma_wait3A_1139 = arith.constant 1 : i32
      %dma_wait3A_1140 = arith.constant 1 : i32
      %dma_wait3A_1141 = arith.constant 0 : i32
      %dma_wait3A_1142 = arith.constant 0 : i32
      %dma_wait3A_1143 = tpu.memref_slice %arg6[%dma_wait3A_1139, %dma_wait3A_1141, %dma_wait3A_1142] : memref<3x80x128xf32, #tpu.memory_space<vmem>> -> memref<1x80x128xf32, #tpu.memory_space<vmem>>
      %dma_wait3A_1144 = tpu.memref_squeeze %dma_wait3A_1143 : memref<1x80x128xf32, #tpu.memory_space<vmem>> -> memref<80x128xf32, #tpu.memory_space<vmem>>
      %dma_wait3A_1145 = arith.constant 0 : i32
      %dma_wait3A_1146 = tpu.memref_slice %arg5[%sub3A_1138, %dma_wait3A_1145] : memref<125x80xi32, #tpu.memory_space<vmem>> -> memref<1x80xi32, #tpu.memory_space<vmem>>
      %dma_wait3A_1147 = tpu.memref_squeeze %dma_wait3A_1146 : memref<1x80xi32, #tpu.memory_space<vmem>> -> memref<80xi32, #tpu.memory_space<vmem>>
      %dma_wait3A_1148 = arith.constant 0 : i32
      %dma_wait3A_1149 = arith.constant 0 : i32
      %dma_wait3A_1150 = tpu.memref_slice %arg7[%dma_wait3A_1148, %dma_wait3A_1149] : memref<10240x128xf32, #tpu.memory_space<vmem_shared>> -> memref<10240x128xf32, #tpu.memory_space<vmem_shared>>
      %dma_wait3A_1151 = tpu.memref_slice %arg9[%dma_wait3A_1140] : memref<3x!tpu.dma_semaphore, #tpu.memory_space<semaphore_mem>> -> memref<1x!tpu.dma_semaphore, #tpu.memory_space<semaphore_mem>>
      %dma_wait3A_1152 = tpu.memref_squeeze %dma_wait3A_1151 : memref<1x!tpu.dma_semaphore, #tpu.memory_space<semaphore_mem>> -> memref<!tpu.dma_semaphore, #tpu.memory_space<semaphore_mem>>
      tpu.wait_indirect_dma semaphore(%dma_wait3A_1152 : memref<!tpu.dma_semaphore, #tpu.memory_space<semaphore_mem>>) src(%dma_wait3A_1144 : memref<80x128xf32, #tpu.memory_space<vmem>>) dst(%dma_wait3A_1150 : memref<10240x128xf32, #tpu.memory_space<vmem_shared>>)
      %add3A_1153 = arith.constant 3 : i32
      %add3A_1154 = arith.addi %add3A_1103, %add3A_1153 : i32
      %sub3A_1155 = arith.constant 1 : i32
      %sub3A_1156 = arith.subi %add3A_1154, %sub3A_1155 : i32
      %mul3A_1157 = arith.constant 80 : i32
      %mul3A_1158 = arith.muli %sub3A_1156, %mul3A_1157 : i32
      %add3A_1159 = arith.addi %mul3A_2, %mul3A_1158 : i32
      %dma_start3A_1160 = arith.constant 1 : i32
      %dma_start3A_1161 = arith.constant 1 : i32
      %dma_start3A_1162 = arith.constant 0 : i32
      %dma_start3A_1163 = arith.constant 0 : i32
      %dma_start3A_1164 = tpu.memref_slice %arg6[%dma_start3A_1160, %dma_start3A_1162, %dma_start3A_1163] : memref<3x80x128xf32, #tpu.memory_space<vmem>> -> memref<1x80x128xf32, #tpu.memory_space<vmem>>
      %dma_start3A_1165 = tpu.memref_squeeze %dma_start3A_1164 : memref<1x80x128xf32, #tpu.memory_space<vmem>> -> memref<80x128xf32, #tpu.memory_space<vmem>>
      %dma_start3A_1166 = arith.constant 0 : i32
      %dma_start3A_1167 = tpu.memref_slice %arg3[%add3A_1159, %dma_start3A_1166] : memref<320000x128xf32, #tpu.memory_space<hbm>> -> memref<80x128xf32, #tpu.memory_space<hbm>>
      %dma_start3A_1168 = tpu.memref_slice %arg8[%dma_start3A_1161] : memref<3x!tpu.dma_semaphore, #tpu.memory_space<semaphore_mem>> -> memref<1x!tpu.dma_semaphore, #tpu.memory_space<semaphore_mem>>
      %dma_start3A_1169 = tpu.memref_squeeze %dma_start3A_1168 : memref<1x!tpu.dma_semaphore, #tpu.memory_space<semaphore_mem>> -> memref<!tpu.dma_semaphore, #tpu.memory_space<semaphore_mem>>
      %dma_start3A_1170 = arith.constant 0 : i32
      %dma_start3A_1171 = arith.constant 0 : i32
      %dma_start3A_1172 = tpu.memref_slice %arg6[%dma_start3A_1160, %dma_start3A_1170, %dma_start3A_1171] : memref<3x80x128xf32, #tpu.memory_space<vmem>> -> memref<1x80x128xf32, #tpu.memory_space<vmem>>
      %dma_start3A_1173 = tpu.memref_squeeze %dma_start3A_1172 : memref<1x80x128xf32, #tpu.memory_space<vmem>> -> memref<80x128xf32, #tpu.memory_space<vmem>>
      %dma_start3A_1174 = arith.constant 0 : i32
      %dma_start3A_1175 = tpu.memref_slice %arg3[%add3A_1159, %dma_start3A_1174] : memref<320000x128xf32, #tpu.memory_space<hbm>> -> memref<80x128xf32, #tpu.memory_space<hbm>>
      tpu.enqueue_dma source(%dma_start3A_1175 : memref<80x128xf32, #tpu.memory_space<hbm>>) target(%dma_start3A_1173 : memref<80x128xf32, #tpu.memory_space<vmem>>) target_semaphore(%dma_start3A_1169 : memref<!tpu.dma_semaphore, #tpu.memory_space<semaphore_mem>>)
    }
    %scan3A_261 = arith.constant 40 : i32
    %add3A_262 = arith.constant 9840 : i32
    %add3A_263 = arith.addi %mul3A_2, %add3A_262 : i32
    %dma_wait3A_264 = arith.constant 0 : i32
    %dma_wait3A_265 = arith.constant 0 : i32
    %dma_wait3A_266 = arith.constant 0 : i32
    %dma_wait3A_267 = arith.constant 0 : i32
    %dma_wait3A_268 = tpu.memref_slice %arg6[%dma_wait3A_264, %dma_wait3A_266, %dma_wait3A_267] : memref<3x80x128xf32, #tpu.memory_space<vmem>> -> memref<1x80x128xf32, #tpu.memory_space<vmem>>
    %dma_wait3A_269 = tpu.memref_squeeze %dma_wait3A_268 : memref<1x80x128xf32, #tpu.memory_space<vmem>> -> memref<80x128xf32, #tpu.memory_space<vmem>>
    %dma_wait3A_270 = arith.constant 0 : i32
    %dma_wait3A_271 = tpu.memref_slice %arg3[%add3A_263, %dma_wait3A_270] : memref<320000x128xf32, #tpu.memory_space<hbm>> -> memref<80x128xf32, #tpu.memory_space<hbm>>
    %dma_wait3A_272 = tpu.memref_slice %arg8[%dma_wait3A_265] : memref<3x!tpu.dma_semaphore, #tpu.memory_space<semaphore_mem>> -> memref<1x!tpu.dma_semaphore, #tpu.memory_space<semaphore_mem>>
    %dma_wait3A_273 = tpu.memref_squeeze %dma_wait3A_272 : memref<1x!tpu.dma_semaphore, #tpu.memory_space<semaphore_mem>> -> memref<!tpu.dma_semaphore, #tpu.memory_space<semaphore_mem>>
    %dma_wait3A_274 = arith.constant 0 : i32
    %dma_wait3A_275 = arith.constant 0 : i32
    %dma_wait3A_276 = tpu.memref_slice %arg6[%dma_wait3A_264, %dma_wait3A_274, %dma_wait3A_275] : memref<3x80x128xf32, #tpu.memory_space<vmem>> -> memref<1x80x128xf32, #tpu.memory_space<vmem>>
    %dma_wait3A_277 = tpu.memref_squeeze %dma_wait3A_276 : memref<1x80x128xf32, #tpu.memory_space<vmem>> -> memref<80x128xf32, #tpu.memory_space<vmem>>
    %dma_wait3A_278 = arith.constant 0 : i32
    %dma_wait3A_279 = tpu.memref_slice %arg3[%add3A_263, %dma_wait3A_278] : memref<320000x128xf32, #tpu.memory_space<hbm>> -> memref<80x128xf32, #tpu.memory_space<hbm>>
    tpu.wait_dma2 semaphore(%dma_wait3A_273 : memref<!tpu.dma_semaphore, #tpu.memory_space<semaphore_mem>>) src(%dma_wait3A_279 : memref<80x128xf32, #tpu.memory_space<hbm>>) dst(%dma_wait3A_277 : memref<80x128xf32, #tpu.memory_space<vmem>>)
    %dma_start3A_280 = arith.constant 0 : i32
    %dma_start3A_281 = arith.constant 123 : i32
    %dma_start3A_282 = arith.constant 0 : i32
    %dma_start3A_283 = arith.constant 0 : i32
    %dma_start3A_284 = arith.constant 0 : i32
    %dma_start3A_285 = tpu.memref_slice %arg6[%dma_start3A_280, %dma_start3A_283, %dma_start3A_284] : memref<3x80x128xf32, #tpu.memory_space<vmem>> -> memref<1x80x128xf32, #tpu.memory_space<vmem>>
    %dma_start3A_286 = tpu.memref_squeeze %dma_start3A_285 : memref<1x80x128xf32, #tpu.memory_space<vmem>> -> memref<80x128xf32, #tpu.memory_space<vmem>>
    %dma_start3A_287 = arith.constant 0 : i32
    %dma_start3A_288 = tpu.memref_slice %arg5[%dma_start3A_281, %dma_start3A_287] : memref<125x80xi32, #tpu.memory_space<vmem>> -> memref<1x80xi32, #tpu.memory_space<vmem>>
    %dma_start3A_289 = tpu.memref_squeeze %dma_start3A_288 : memref<1x80xi32, #tpu.memory_space<vmem>> -> memref<80xi32, #tpu.memory_space<vmem>>
    %dma_start3A_290 = arith.constant 0 : i32
    %dma_start3A_291 = arith.constant 0 : i32
    %dma_start3A_292 = tpu.memref_slice %arg7[%dma_start3A_290, %dma_start3A_291] : memref<10240x128xf32, #tpu.memory_space<vmem_shared>> -> memref<10240x128xf32, #tpu.memory_space<vmem_shared>>
    %dma_start3A_293 = tpu.memref_slice %arg9[%dma_start3A_282] : memref<3x!tpu.dma_semaphore, #tpu.memory_space<semaphore_mem>> -> memref<1x!tpu.dma_semaphore, #tpu.memory_space<semaphore_mem>>
    %dma_start3A_294 = tpu.memref_squeeze %dma_start3A_293 : memref<1x!tpu.dma_semaphore, #tpu.memory_space<semaphore_mem>> -> memref<!tpu.dma_semaphore, #tpu.memory_space<semaphore_mem>>
    tpu.enqueue_indirect_dma source(%dma_start3A_286 : memref<80x128xf32, #tpu.memory_space<vmem>>) target(%dma_start3A_292 : memref<10240x128xf32, #tpu.memory_space<vmem_shared>>) offsets(%dma_start3A_289 : memref<80xi32, #tpu.memory_space<vmem>>) semaphore(%dma_start3A_294 : memref<!tpu.dma_semaphore, #tpu.memory_space<semaphore_mem>>) {add = true}
    %dma_wait3A_295 = arith.constant 2 : i32
    %dma_wait3A_296 = arith.constant 122 : i32
    %dma_wait3A_297 = arith.constant 2 : i32
    %dma_wait3A_298 = arith.constant 0 : i32
    %dma_wait3A_299 = arith.constant 0 : i32
    %dma_wait3A_300 = tpu.memref_slice %arg6[%dma_wait3A_295, %dma_wait3A_298, %dma_wait3A_299] : memref<3x80x128xf32, #tpu.memory_space<vmem>> -> memref<1x80x128xf32, #tpu.memory_space<vmem>>
    %dma_wait3A_301 = tpu.memref_squeeze %dma_wait3A_300 : memref<1x80x128xf32, #tpu.memory_space<vmem>> -> memref<80x128xf32, #tpu.memory_space<vmem>>
    %dma_wait3A_302 = arith.constant 0 : i32
    %dma_wait3A_303 = tpu.memref_slice %arg5[%dma_wait3A_296, %dma_wait3A_302] : memref<125x80xi32, #tpu.memory_space<vmem>> -> memref<1x80xi32, #tpu.memory_space<vmem>>
    %dma_wait3A_304 = tpu.memref_squeeze %dma_wait3A_303 : memref<1x80xi32, #tpu.memory_space<vmem>> -> memref<80xi32, #tpu.memory_space<vmem>>
    %dma_wait3A_305 = arith.constant 0 : i32
    %dma_wait3A_306 = arith.constant 0 : i32
    %dma_wait3A_307 = tpu.memref_slice %arg7[%dma_wait3A_305, %dma_wait3A_306] : memref<10240x128xf32, #tpu.memory_space<vmem_shared>> -> memref<10240x128xf32, #tpu.memory_space<vmem_shared>>
    %dma_wait3A_308 = tpu.memref_slice %arg9[%dma_wait3A_297] : memref<3x!tpu.dma_semaphore, #tpu.memory_space<semaphore_mem>> -> memref<1x!tpu.dma_semaphore, #tpu.memory_space<semaphore_mem>>
    %dma_wait3A_309 = tpu.memref_squeeze %dma_wait3A_308 : memref<1x!tpu.dma_semaphore, #tpu.memory_space<semaphore_mem>> -> memref<!tpu.dma_semaphore, #tpu.memory_space<semaphore_mem>>
    tpu.wait_indirect_dma semaphore(%dma_wait3A_309 : memref<!tpu.dma_semaphore, #tpu.memory_space<semaphore_mem>>) src(%dma_wait3A_301 : memref<80x128xf32, #tpu.memory_space<vmem>>) dst(%dma_wait3A_307 : memref<10240x128xf32, #tpu.memory_space<vmem_shared>>)
    %add3A_310 = arith.constant 9920 : i32
    %add3A_311 = arith.addi %mul3A_2, %add3A_310 : i32
    %dma_wait3A_312 = arith.constant 1 : i32
    %dma_wait3A_313 = arith.constant 1 : i32
    %dma_wait3A_314 = arith.constant 0 : i32
    %dma_wait3A_315 = arith.constant 0 : i32
    %dma_wait3A_316 = tpu.memref_slice %arg6[%dma_wait3A_312, %dma_wait3A_314, %dma_wait3A_315] : memref<3x80x128xf32, #tpu.memory_space<vmem>> -> memref<1x80x128xf32, #tpu.memory_space<vmem>>
    %dma_wait3A_317 = tpu.memref_squeeze %dma_wait3A_316 : memref<1x80x128xf32, #tpu.memory_space<vmem>> -> memref<80x128xf32, #tpu.memory_space<vmem>>
    %dma_wait3A_318 = arith.constant 0 : i32
    %dma_wait3A_319 = tpu.memref_slice %arg3[%add3A_311, %dma_wait3A_318] : memref<320000x128xf32, #tpu.memory_space<hbm>> -> memref<80x128xf32, #tpu.memory_space<hbm>>
    %dma_wait3A_320 = tpu.memref_slice %arg8[%dma_wait3A_313] : memref<3x!tpu.dma_semaphore, #tpu.memory_space<semaphore_mem>> -> memref<1x!tpu.dma_semaphore, #tpu.memory_space<semaphore_mem>>
    %dma_wait3A_321 = tpu.memref_squeeze %dma_wait3A_320 : memref<1x!tpu.dma_semaphore, #tpu.memory_space<semaphore_mem>> -> memref<!tpu.dma_semaphore, #tpu.memory_space<semaphore_mem>>
    %dma_wait3A_322 = arith.constant 0 : i32
    %dma_wait3A_323 = arith.constant 0 : i32
    %dma_wait3A_324 = tpu.memref_slice %arg6[%dma_wait3A_312, %dma_wait3A_322, %dma_wait3A_323] : memref<3x80x128xf32, #tpu.memory_space<vmem>> -> memref<1x80x128xf32, #tpu.memory_space<vmem>>
    %dma_wait3A_325 = tpu.memref_squeeze %dma_wait3A_324 : memref<1x80x128xf32, #tpu.memory_space<vmem>> -> memref<80x128xf32, #tpu.memory_space<vmem>>
    %dma_wait3A_326 = arith.constant 0 : i32
    %dma_wait3A_327 = tpu.memref_slice %arg3[%add3A_311, %dma_wait3A_326] : memref<320000x128xf32, #tpu.memory_space<hbm>> -> memref<80x128xf32, #tpu.memory_space<hbm>>
    tpu.wait_dma2 semaphore(%dma_wait3A_321 : memref<!tpu.dma_semaphore, #tpu.memory_space<semaphore_mem>>) src(%dma_wait3A_327 : memref<80x128xf32, #tpu.memory_space<hbm>>) dst(%dma_wait3A_325 : memref<80x128xf32, #tpu.memory_space<vmem>>)
    %dma_start3A_328 = arith.constant 1 : i32
    %dma_start3A_329 = arith.constant 124 : i32
    %dma_start3A_330 = arith.constant 1 : i32
    %dma_start3A_331 = arith.constant 0 : i32
    %dma_start3A_332 = arith.constant 0 : i32
    %dma_start3A_333 = tpu.memref_slice %arg6[%dma_start3A_328, %dma_start3A_331, %dma_start3A_332] : memref<3x80x128xf32, #tpu.memory_space<vmem>> -> memref<1x80x128xf32, #tpu.memory_space<vmem>>
    %dma_start3A_334 = tpu.memref_squeeze %dma_start3A_333 : memref<1x80x128xf32, #tpu.memory_space<vmem>> -> memref<80x128xf32, #tpu.memory_space<vmem>>
    %dma_start3A_335 = arith.constant 0 : i32
    %dma_start3A_336 = tpu.memref_slice %arg5[%dma_start3A_329, %dma_start3A_335] : memref<125x80xi32, #tpu.memory_space<vmem>> -> memref<1x80xi32, #tpu.memory_space<vmem>>
    %dma_start3A_337 = tpu.memref_squeeze %dma_start3A_336 : memref<1x80xi32, #tpu.memory_space<vmem>> -> memref<80xi32, #tpu.memory_space<vmem>>
    %dma_start3A_338 = arith.constant 0 : i32
    %dma_start3A_339 = arith.constant 0 : i32
    %dma_start3A_340 = tpu.memref_slice %arg7[%dma_start3A_338, %dma_start3A_339] : memref<10240x128xf32, #tpu.memory_space<vmem_shared>> -> memref<10240x128xf32, #tpu.memory_space<vmem_shared>>
    %dma_start3A_341 = tpu.memref_slice %arg9[%dma_start3A_330] : memref<3x!tpu.dma_semaphore, #tpu.memory_space<semaphore_mem>> -> memref<1x!tpu.dma_semaphore, #tpu.memory_space<semaphore_mem>>
    %dma_start3A_342 = tpu.memref_squeeze %dma_start3A_341 : memref<1x!tpu.dma_semaphore, #tpu.memory_space<semaphore_mem>> -> memref<!tpu.dma_semaphore, #tpu.memory_space<semaphore_mem>>
    tpu.enqueue_indirect_dma source(%dma_start3A_334 : memref<80x128xf32, #tpu.memory_space<vmem>>) target(%dma_start3A_340 : memref<10240x128xf32, #tpu.memory_space<vmem_shared>>) offsets(%dma_start3A_337 : memref<80xi32, #tpu.memory_space<vmem>>) semaphore(%dma_start3A_342 : memref<!tpu.dma_semaphore, #tpu.memory_space<semaphore_mem>>) {add = true}
    %dma_wait3A_343 = arith.constant 0 : i32
    %dma_wait3A_344 = arith.constant 123 : i32
    %dma_wait3A_345 = arith.constant 0 : i32
    %dma_wait3A_346 = arith.constant 0 : i32
    %dma_wait3A_347 = arith.constant 0 : i32
    %dma_wait3A_348 = tpu.memref_slice %arg6[%dma_wait3A_343, %dma_wait3A_346, %dma_wait3A_347] : memref<3x80x128xf32, #tpu.memory_space<vmem>> -> memref<1x80x128xf32, #tpu.memory_space<vmem>>
    %dma_wait3A_349 = tpu.memref_squeeze %dma_wait3A_348 : memref<1x80x128xf32, #tpu.memory_space<vmem>> -> memref<80x128xf32, #tpu.memory_space<vmem>>
    %dma_wait3A_350 = arith.constant 0 : i32
    %dma_wait3A_351 = tpu.memref_slice %arg5[%dma_wait3A_344, %dma_wait3A_350] : memref<125x80xi32, #tpu.memory_space<vmem>> -> memref<1x80xi32, #tpu.memory_space<vmem>>
    %dma_wait3A_352 = tpu.memref_squeeze %dma_wait3A_351 : memref<1x80xi32, #tpu.memory_space<vmem>> -> memref<80xi32, #tpu.memory_space<vmem>>
    %dma_wait3A_353 = arith.constant 0 : i32
    %dma_wait3A_354 = arith.constant 0 : i32
    %dma_wait3A_355 = tpu.memref_slice %arg7[%dma_wait3A_353, %dma_wait3A_354] : memref<10240x128xf32, #tpu.memory_space<vmem_shared>> -> memref<10240x128xf32, #tpu.memory_space<vmem_shared>>
    %dma_wait3A_356 = tpu.memref_slice %arg9[%dma_wait3A_345] : memref<3x!tpu.dma_semaphore, #tpu.memory_space<semaphore_mem>> -> memref<1x!tpu.dma_semaphore, #tpu.memory_space<semaphore_mem>>
    %dma_wait3A_357 = tpu.memref_squeeze %dma_wait3A_356 : memref<1x!tpu.dma_semaphore, #tpu.memory_space<semaphore_mem>> -> memref<!tpu.dma_semaphore, #tpu.memory_space<semaphore_mem>>
    tpu.wait_indirect_dma semaphore(%dma_wait3A_357 : memref<!tpu.dma_semaphore, #tpu.memory_space<semaphore_mem>>) src(%dma_wait3A_349 : memref<80x128xf32, #tpu.memory_space<vmem>>) dst(%dma_wait3A_355 : memref<10240x128xf32, #tpu.memory_space<vmem_shared>>)
    %dma_wait3A_358 = arith.constant 1 : i32
    %dma_wait3A_359 = arith.constant 124 : i32
    %dma_wait3A_360 = arith.constant 1 : i32
    %dma_wait3A_361 = arith.constant 0 : i32
    %dma_wait3A_362 = arith.constant 0 : i32
    %dma_wait3A_363 = tpu.memref_slice %arg6[%dma_wait3A_358, %dma_wait3A_361, %dma_wait3A_362] : memref<3x80x128xf32, #tpu.memory_space<vmem>> -> memref<1x80x128xf32, #tpu.memory_space<vmem>>
    %dma_wait3A_364 = tpu.memref_squeeze %dma_wait3A_363 : memref<1x80x128xf32, #tpu.memory_space<vmem>> -> memref<80x128xf32, #tpu.memory_space<vmem>>
    %dma_wait3A_365 = arith.constant 0 : i32
    %dma_wait3A_366 = tpu.memref_slice %arg5[%dma_wait3A_359, %dma_wait3A_365] : memref<125x80xi32, #tpu.memory_space<vmem>> -> memref<1x80xi32, #tpu.memory_space<vmem>>
    %dma_wait3A_367 = tpu.memref_squeeze %dma_wait3A_366 : memref<1x80xi32, #tpu.memory_space<vmem>> -> memref<80xi32, #tpu.memory_space<vmem>>
    %dma_wait3A_368 = arith.constant 0 : i32
    %dma_wait3A_369 = arith.constant 0 : i32
    %dma_wait3A_370 = tpu.memref_slice %arg7[%dma_wait3A_368, %dma_wait3A_369] : memref<10240x128xf32, #tpu.memory_space<vmem_shared>> -> memref<10240x128xf32, #tpu.memory_space<vmem_shared>>
    %dma_wait3A_371 = tpu.memref_slice %arg9[%dma_wait3A_360] : memref<3x!tpu.dma_semaphore, #tpu.memory_space<semaphore_mem>> -> memref<1x!tpu.dma_semaphore, #tpu.memory_space<semaphore_mem>>
    %dma_wait3A_372 = tpu.memref_squeeze %dma_wait3A_371 : memref<1x!tpu.dma_semaphore, #tpu.memory_space<semaphore_mem>> -> memref<!tpu.dma_semaphore, #tpu.memory_space<semaphore_mem>>
    tpu.wait_indirect_dma semaphore(%dma_wait3A_372 : memref<!tpu.dma_semaphore, #tpu.memory_space<semaphore_mem>>) src(%dma_wait3A_364 : memref<80x128xf32, #tpu.memory_space<vmem>>) dst(%dma_wait3A_370 : memref<10240x128xf32, #tpu.memory_space<vmem_shared>>)
    %barrier3A_373 = arith.constant 0 : index
    tpu.barrier barrier_id(%barrier3A_373)
    %add3A_374 = arith.constant 0 : i32
    %add3A_375 = arith.addi %mul3A_4, %add3A_374 : i32
    %dma_start3A_376 = arith.constant 0 : i32
    %dma_start3A_377 = arith.constant 0 : i32
    %dma_start3A_378 = arith.constant 0 : i32
    %dma_start3A_379 = arith.constant 0 : i32
    %dma_start3A_380 = tpu.memref_slice %arg6[%dma_start3A_376, %dma_start3A_378, %dma_start3A_379] : memref<3x80x128xf32, #tpu.memory_space<vmem>> -> memref<1x80x128xf32, #tpu.memory_space<vmem>>
    %dma_start3A_381 = tpu.memref_squeeze %dma_start3A_380 : memref<1x80x128xf32, #tpu.memory_space<vmem>> -> memref<80x128xf32, #tpu.memory_space<vmem>>
    %dma_start3A_382 = arith.constant 0 : i32
    %dma_start3A_383 = tpu.memref_slice %arg7[%add3A_375, %dma_start3A_382] : memref<10240x128xf32, #tpu.memory_space<vmem_shared>> -> memref<80x128xf32, #tpu.memory_space<vmem_shared>>
    %dma_start3A_384 = tpu.memref_slice %arg8[%dma_start3A_377] : memref<3x!tpu.dma_semaphore, #tpu.memory_space<semaphore_mem>> -> memref<1x!tpu.dma_semaphore, #tpu.memory_space<semaphore_mem>>
    %dma_start3A_385 = tpu.memref_squeeze %dma_start3A_384 : memref<1x!tpu.dma_semaphore, #tpu.memory_space<semaphore_mem>> -> memref<!tpu.dma_semaphore, #tpu.memory_space<semaphore_mem>>
    %dma_start3A_386 = arith.constant 0 : i32
    %dma_start3A_387 = arith.constant 0 : i32
    %dma_start3A_388 = tpu.memref_slice %arg6[%dma_start3A_376, %dma_start3A_386, %dma_start3A_387] : memref<3x80x128xf32, #tpu.memory_space<vmem>> -> memref<1x80x128xf32, #tpu.memory_space<vmem>>
    %dma_start3A_389 = tpu.memref_squeeze %dma_start3A_388 : memref<1x80x128xf32, #tpu.memory_space<vmem>> -> memref<80x128xf32, #tpu.memory_space<vmem>>
    %dma_start3A_390 = arith.constant 0 : i32
    %dma_start3A_391 = tpu.memref_slice %arg7[%add3A_375, %dma_start3A_390] : memref<10240x128xf32, #tpu.memory_space<vmem_shared>> -> memref<80x128xf32, #tpu.memory_space<vmem_shared>>
    tpu.enqueue_dma source(%dma_start3A_391 : memref<80x128xf32, #tpu.memory_space<vmem_shared>>) target(%dma_start3A_389 : memref<80x128xf32, #tpu.memory_space<vmem>>) target_semaphore(%dma_start3A_385 : memref<!tpu.dma_semaphore, #tpu.memory_space<semaphore_mem>>)
    %dma_wait3A_392 = arith.constant 0 : i32
    %dma_wait3A_393 = arith.constant 0 : i32
    %dma_wait3A_394 = arith.constant 0 : i32
    %dma_wait3A_395 = arith.constant 0 : i32
    %dma_wait3A_396 = tpu.memref_slice %arg6[%dma_wait3A_392, %dma_wait3A_394, %dma_wait3A_395] : memref<3x80x128xf32, #tpu.memory_space<vmem>> -> memref<1x80x128xf32, #tpu.memory_space<vmem>>
    %dma_wait3A_397 = tpu.memref_squeeze %dma_wait3A_396 : memref<1x80x128xf32, #tpu.memory_space<vmem>> -> memref<80x128xf32, #tpu.memory_space<vmem>>
    %dma_wait3A_398 = arith.constant 0 : i32
    %dma_wait3A_399 = tpu.memref_slice %arg7[%add3A_375, %dma_wait3A_398] : memref<10240x128xf32, #tpu.memory_space<vmem_shared>> -> memref<80x128xf32, #tpu.memory_space<vmem_shared>>
    %dma_wait3A_400 = tpu.memref_slice %arg8[%dma_wait3A_393] : memref<3x!tpu.dma_semaphore, #tpu.memory_space<semaphore_mem>> -> memref<1x!tpu.dma_semaphore, #tpu.memory_space<semaphore_mem>>
    %dma_wait3A_401 = tpu.memref_squeeze %dma_wait3A_400 : memref<1x!tpu.dma_semaphore, #tpu.memory_space<semaphore_mem>> -> memref<!tpu.dma_semaphore, #tpu.memory_space<semaphore_mem>>
    %dma_wait3A_402 = arith.constant 0 : i32
    %dma_wait3A_403 = arith.constant 0 : i32
    %dma_wait3A_404 = tpu.memref_slice %arg6[%dma_wait3A_392, %dma_wait3A_402, %dma_wait3A_403] : memref<3x80x128xf32, #tpu.memory_space<vmem>> -> memref<1x80x128xf32, #tpu.memory_space<vmem>>
    %dma_wait3A_405 = tpu.memref_squeeze %dma_wait3A_404 : memref<1x80x128xf32, #tpu.memory_space<vmem>> -> memref<80x128xf32, #tpu.memory_space<vmem>>
    %dma_wait3A_406 = arith.constant 0 : i32
    %dma_wait3A_407 = tpu.memref_slice %arg7[%add3A_375, %dma_wait3A_406] : memref<10240x128xf32, #tpu.memory_space<vmem_shared>> -> memref<80x128xf32, #tpu.memory_space<vmem_shared>>
    tpu.wait_dma2 semaphore(%dma_wait3A_401 : memref<!tpu.dma_semaphore, #tpu.memory_space<semaphore_mem>>) src(%dma_wait3A_407 : memref<80x128xf32, #tpu.memory_space<vmem_shared>>) dst(%dma_wait3A_405 : memref<80x128xf32, #tpu.memory_space<vmem>>)
    %dma_start3A_408 = arith.constant 0 : i32
    %dma_start3A_409 = arith.constant 0 : i32
    %dma_start3A_410 = arith.constant 0 : i32
    %dma_start3A_411 = arith.constant 0 : i32
    %dma_start3A_412 = tpu.memref_slice %arg6[%dma_start3A_408, %dma_start3A_410, %dma_start3A_411] : memref<3x80x128xf32, #tpu.memory_space<vmem>> -> memref<1x80x128xf32, #tpu.memory_space<vmem>>
    %dma_start3A_413 = tpu.memref_squeeze %dma_start3A_412 : memref<1x80x128xf32, #tpu.memory_space<vmem>> -> memref<80x128xf32, #tpu.memory_space<vmem>>
    %dma_start3A_414 = arith.constant 0 : i32
    %dma_start3A_415 = tpu.memref_slice %arg4[%arg0, %add3A_375, %dma_start3A_414] : memref<2x10240x128xf32, #tpu.memory_space<hbm>> -> memref<1x80x128xf32, #tpu.memory_space<hbm>>
    %dma_start3A_416 = tpu.memref_squeeze %dma_start3A_415 : memref<1x80x128xf32, #tpu.memory_space<hbm>> -> memref<80x128xf32, #tpu.memory_space<hbm>>
    %dma_start3A_417 = tpu.memref_slice %arg9[%dma_start3A_409] : memref<3x!tpu.dma_semaphore, #tpu.memory_space<semaphore_mem>> -> memref<1x!tpu.dma_semaphore, #tpu.memory_space<semaphore_mem>>
    %dma_start3A_418 = tpu.memref_squeeze %dma_start3A_417 : memref<1x!tpu.dma_semaphore, #tpu.memory_space<semaphore_mem>> -> memref<!tpu.dma_semaphore, #tpu.memory_space<semaphore_mem>>
    %dma_start3A_419 = arith.constant 0 : i32
    %dma_start3A_420 = tpu.memref_slice %arg4[%arg0, %add3A_375, %dma_start3A_419] : memref<2x10240x128xf32, #tpu.memory_space<hbm>> -> memref<1x80x128xf32, #tpu.memory_space<hbm>>
    %dma_start3A_421 = tpu.memref_squeeze %dma_start3A_420 : memref<1x80x128xf32, #tpu.memory_space<hbm>> -> memref<80x128xf32, #tpu.memory_space<hbm>>
    %dma_start3A_422 = arith.constant 0 : i32
    %dma_start3A_423 = arith.constant 0 : i32
    %dma_start3A_424 = tpu.memref_slice %arg6[%dma_start3A_408, %dma_start3A_422, %dma_start3A_423] : memref<3x80x128xf32, #tpu.memory_space<vmem>> -> memref<1x80x128xf32, #tpu.memory_space<vmem>>
    %dma_start3A_425 = tpu.memref_squeeze %dma_start3A_424 : memref<1x80x128xf32, #tpu.memory_space<vmem>> -> memref<80x128xf32, #tpu.memory_space<vmem>>
    tpu.enqueue_dma source(%dma_start3A_425 : memref<80x128xf32, #tpu.memory_space<vmem>>) target(%dma_start3A_421 : memref<80x128xf32, #tpu.memory_space<hbm>>) target_semaphore(%dma_start3A_418 : memref<!tpu.dma_semaphore, #tpu.memory_space<semaphore_mem>>)
    %add3A_426 = arith.constant 80 : i32
    %add3A_427 = arith.addi %mul3A_4, %add3A_426 : i32
    %dma_start3A_428 = arith.constant 1 : i32
    %dma_start3A_429 = arith.constant 1 : i32
    %dma_start3A_430 = arith.constant 0 : i32
    %dma_start3A_431 = arith.constant 0 : i32
    %dma_start3A_432 = tpu.memref_slice %arg6[%dma_start3A_428, %dma_start3A_430, %dma_start3A_431] : memref<3x80x128xf32, #tpu.memory_space<vmem>> -> memref<1x80x128xf32, #tpu.memory_space<vmem>>
    %dma_start3A_433 = tpu.memref_squeeze %dma_start3A_432 : memref<1x80x128xf32, #tpu.memory_space<vmem>> -> memref<80x128xf32, #tpu.memory_space<vmem>>
    %dma_start3A_434 = arith.constant 0 : i32
    %dma_start3A_435 = tpu.memref_slice %arg7[%add3A_427, %dma_start3A_434] : memref<10240x128xf32, #tpu.memory_space<vmem_shared>> -> memref<80x128xf32, #tpu.memory_space<vmem_shared>>
    %dma_start3A_436 = tpu.memref_slice %arg8[%dma_start3A_429] : memref<3x!tpu.dma_semaphore, #tpu.memory_space<semaphore_mem>> -> memref<1x!tpu.dma_semaphore, #tpu.memory_space<semaphore_mem>>
    %dma_start3A_437 = tpu.memref_squeeze %dma_start3A_436 : memref<1x!tpu.dma_semaphore, #tpu.memory_space<semaphore_mem>> -> memref<!tpu.dma_semaphore, #tpu.memory_space<semaphore_mem>>
    %dma_start3A_438 = arith.constant 0 : i32
    %dma_start3A_439 = arith.constant 0 : i32
    %dma_start3A_440 = tpu.memref_slice %arg6[%dma_start3A_428, %dma_start3A_438, %dma_start3A_439] : memref<3x80x128xf32, #tpu.memory_space<vmem>> -> memref<1x80x128xf32, #tpu.memory_space<vmem>>
    %dma_start3A_441 = tpu.memref_squeeze %dma_start3A_440 : memref<1x80x128xf32, #tpu.memory_space<vmem>> -> memref<80x128xf32, #tpu.memory_space<vmem>>
    %dma_start3A_442 = arith.constant 0 : i32
    %dma_start3A_443 = tpu.memref_slice %arg7[%add3A_427, %dma_start3A_442] : memref<10240x128xf32, #tpu.memory_space<vmem_shared>> -> memref<80x128xf32, #tpu.memory_space<vmem_shared>>
    tpu.enqueue_dma source(%dma_start3A_443 : memref<80x128xf32, #tpu.memory_space<vmem_shared>>) target(%dma_start3A_441 : memref<80x128xf32, #tpu.memory_space<vmem>>) target_semaphore(%dma_start3A_437 : memref<!tpu.dma_semaphore, #tpu.memory_space<semaphore_mem>>)
    %dma_wait3A_444 = arith.constant 1 : i32
    %dma_wait3A_445 = arith.constant 1 : i32
    %dma_wait3A_446 = arith.constant 0 : i32
    %dma_wait3A_447 = arith.constant 0 : i32
    %dma_wait3A_448 = tpu.memref_slice %arg6[%dma_wait3A_444, %dma_wait3A_446, %dma_wait3A_447] : memref<3x80x128xf32, #tpu.memory_space<vmem>> -> memref<1x80x128xf32, #tpu.memory_space<vmem>>
    %dma_wait3A_449 = tpu.memref_squeeze %dma_wait3A_448 : memref<1x80x128xf32, #tpu.memory_space<vmem>> -> memref<80x128xf32, #tpu.memory_space<vmem>>
    %dma_wait3A_450 = arith.constant 0 : i32
    %dma_wait3A_451 = tpu.memref_slice %arg7[%add3A_427, %dma_wait3A_450] : memref<10240x128xf32, #tpu.memory_space<vmem_shared>> -> memref<80x128xf32, #tpu.memory_space<vmem_shared>>
    %dma_wait3A_452 = tpu.memref_slice %arg8[%dma_wait3A_445] : memref<3x!tpu.dma_semaphore, #tpu.memory_space<semaphore_mem>> -> memref<1x!tpu.dma_semaphore, #tpu.memory_space<semaphore_mem>>
    %dma_wait3A_453 = tpu.memref_squeeze %dma_wait3A_452 : memref<1x!tpu.dma_semaphore, #tpu.memory_space<semaphore_mem>> -> memref<!tpu.dma_semaphore, #tpu.memory_space<semaphore_mem>>
    %dma_wait3A_454 = arith.constant 0 : i32
    %dma_wait3A_455 = arith.constant 0 : i32
    %dma_wait3A_456 = tpu.memref_slice %arg6[%dma_wait3A_444, %dma_wait3A_454, %dma_wait3A_455] : memref<3x80x128xf32, #tpu.memory_space<vmem>> -> memref<1x80x128xf32, #tpu.memory_space<vmem>>
    %dma_wait3A_457 = tpu.memref_squeeze %dma_wait3A_456 : memref<1x80x128xf32, #tpu.memory_space<vmem>> -> memref<80x128xf32, #tpu.memory_space<vmem>>
    %dma_wait3A_458 = arith.constant 0 : i32
    %dma_wait3A_459 = tpu.memref_slice %arg7[%add3A_427, %dma_wait3A_458] : memref<10240x128xf32, #tpu.memory_space<vmem_shared>> -> memref<80x128xf32, #tpu.memory_space<vmem_shared>>
    tpu.wait_dma2 semaphore(%dma_wait3A_453 : memref<!tpu.dma_semaphore, #tpu.memory_space<semaphore_mem>>) src(%dma_wait3A_459 : memref<80x128xf32, #tpu.memory_space<vmem_shared>>) dst(%dma_wait3A_457 : memref<80x128xf32, #tpu.memory_space<vmem>>)
    %dma_start3A_460 = arith.constant 1 : i32
    %dma_start3A_461 = arith.constant 1 : i32
    %dma_start3A_462 = arith.constant 0 : i32
    %dma_start3A_463 = arith.constant 0 : i32
    %dma_start3A_464 = tpu.memref_slice %arg6[%dma_start3A_460, %dma_start3A_462, %dma_start3A_463] : memref<3x80x128xf32, #tpu.memory_space<vmem>> -> memref<1x80x128xf32, #tpu.memory_space<vmem>>
    %dma_start3A_465 = tpu.memref_squeeze %dma_start3A_464 : memref<1x80x128xf32, #tpu.memory_space<vmem>> -> memref<80x128xf32, #tpu.memory_space<vmem>>
    %dma_start3A_466 = arith.constant 0 : i32
    %dma_start3A_467 = tpu.memref_slice %arg4[%arg0, %add3A_427, %dma_start3A_466] : memref<2x10240x128xf32, #tpu.memory_space<hbm>> -> memref<1x80x128xf32, #tpu.memory_space<hbm>>
    %dma_start3A_468 = tpu.memref_squeeze %dma_start3A_467 : memref<1x80x128xf32, #tpu.memory_space<hbm>> -> memref<80x128xf32, #tpu.memory_space<hbm>>
    %dma_start3A_469 = tpu.memref_slice %arg9[%dma_start3A_461] : memref<3x!tpu.dma_semaphore, #tpu.memory_space<semaphore_mem>> -> memref<1x!tpu.dma_semaphore, #tpu.memory_space<semaphore_mem>>
    %dma_start3A_470 = tpu.memref_squeeze %dma_start3A_469 : memref<1x!tpu.dma_semaphore, #tpu.memory_space<semaphore_mem>> -> memref<!tpu.dma_semaphore, #tpu.memory_space<semaphore_mem>>
    %dma_start3A_471 = arith.constant 0 : i32
    %dma_start3A_472 = tpu.memref_slice %arg4[%arg0, %add3A_427, %dma_start3A_471] : memref<2x10240x128xf32, #tpu.memory_space<hbm>> -> memref<1x80x128xf32, #tpu.memory_space<hbm>>
    %dma_start3A_473 = tpu.memref_squeeze %dma_start3A_472 : memref<1x80x128xf32, #tpu.memory_space<hbm>> -> memref<80x128xf32, #tpu.memory_space<hbm>>
    %dma_start3A_474 = arith.constant 0 : i32
    %dma_start3A_475 = arith.constant 0 : i32
    %dma_start3A_476 = tpu.memref_slice %arg6[%dma_start3A_460, %dma_start3A_474, %dma_start3A_475] : memref<3x80x128xf32, #tpu.memory_space<vmem>> -> memref<1x80x128xf32, #tpu.memory_space<vmem>>
    %dma_start3A_477 = tpu.memref_squeeze %dma_start3A_476 : memref<1x80x128xf32, #tpu.memory_space<vmem>> -> memref<80x128xf32, #tpu.memory_space<vmem>>
    tpu.enqueue_dma source(%dma_start3A_477 : memref<80x128xf32, #tpu.memory_space<vmem>>) target(%dma_start3A_473 : memref<80x128xf32, #tpu.memory_space<hbm>>) target_semaphore(%dma_start3A_470 : memref<!tpu.dma_semaphore, #tpu.memory_space<semaphore_mem>>)
    %add3A_478 = arith.constant 160 : i32
    %add3A_479 = arith.addi %mul3A_4, %add3A_478 : i32
    %add3A_480 = arith.constant 0 : i32
    %add3A_481 = arith.addi %mul3A_4, %add3A_480 : i32
    %dma_wait3A_482 = arith.constant 0 : i32
    %dma_wait3A_483 = arith.constant 0 : i32
    %dma_wait3A_484 = arith.constant 0 : i32
    %dma_wait3A_485 = arith.constant 0 : i32
    %dma_wait3A_486 = tpu.memref_slice %arg6[%dma_wait3A_482, %dma_wait3A_484, %dma_wait3A_485] : memref<3x80x128xf32, #tpu.memory_space<vmem>> -> memref<1x80x128xf32, #tpu.memory_space<vmem>>
    %dma_wait3A_487 = tpu.memref_squeeze %dma_wait3A_486 : memref<1x80x128xf32, #tpu.memory_space<vmem>> -> memref<80x128xf32, #tpu.memory_space<vmem>>
    %dma_wait3A_488 = arith.constant 0 : i32
    %dma_wait3A_489 = tpu.memref_slice %arg4[%arg0, %add3A_481, %dma_wait3A_488] : memref<2x10240x128xf32, #tpu.memory_space<hbm>> -> memref<1x80x128xf32, #tpu.memory_space<hbm>>
    %dma_wait3A_490 = tpu.memref_squeeze %dma_wait3A_489 : memref<1x80x128xf32, #tpu.memory_space<hbm>> -> memref<80x128xf32, #tpu.memory_space<hbm>>
    %dma_wait3A_491 = tpu.memref_slice %arg9[%dma_wait3A_483] : memref<3x!tpu.dma_semaphore, #tpu.memory_space<semaphore_mem>> -> memref<1x!tpu.dma_semaphore, #tpu.memory_space<semaphore_mem>>
    %dma_wait3A_492 = tpu.memref_squeeze %dma_wait3A_491 : memref<1x!tpu.dma_semaphore, #tpu.memory_space<semaphore_mem>> -> memref<!tpu.dma_semaphore, #tpu.memory_space<semaphore_mem>>
    %dma_wait3A_493 = arith.constant 0 : i32
    %dma_wait3A_494 = tpu.memref_slice %arg4[%arg0, %add3A_481, %dma_wait3A_493] : memref<2x10240x128xf32, #tpu.memory_space<hbm>> -> memref<1x80x128xf32, #tpu.memory_space<hbm>>
    %dma_wait3A_495 = tpu.memref_squeeze %dma_wait3A_494 : memref<1x80x128xf32, #tpu.memory_space<hbm>> -> memref<80x128xf32, #tpu.memory_space<hbm>>
    %dma_wait3A_496 = arith.constant 0 : i32
    %dma_wait3A_497 = arith.constant 0 : i32
    %dma_wait3A_498 = tpu.memref_slice %arg6[%dma_wait3A_482, %dma_wait3A_496, %dma_wait3A_497] : memref<3x80x128xf32, #tpu.memory_space<vmem>> -> memref<1x80x128xf32, #tpu.memory_space<vmem>>
    %dma_wait3A_499 = tpu.memref_squeeze %dma_wait3A_498 : memref<1x80x128xf32, #tpu.memory_space<vmem>> -> memref<80x128xf32, #tpu.memory_space<vmem>>
    tpu.wait_dma2 semaphore(%dma_wait3A_492 : memref<!tpu.dma_semaphore, #tpu.memory_space<semaphore_mem>>) src(%dma_wait3A_499 : memref<80x128xf32, #tpu.memory_space<vmem>>) dst(%dma_wait3A_495 : memref<80x128xf32, #tpu.memory_space<hbm>>)
    %dma_start3A_500 = arith.constant 0 : i32
    %dma_start3A_501 = arith.constant 0 : i32
    %dma_start3A_502 = arith.constant 0 : i32
    %dma_start3A_503 = arith.constant 0 : i32
    %dma_start3A_504 = tpu.memref_slice %arg6[%dma_start3A_500, %dma_start3A_502, %dma_start3A_503] : memref<3x80x128xf32, #tpu.memory_space<vmem>> -> memref<1x80x128xf32, #tpu.memory_space<vmem>>
    %dma_start3A_505 = tpu.memref_squeeze %dma_start3A_504 : memref<1x80x128xf32, #tpu.memory_space<vmem>> -> memref<80x128xf32, #tpu.memory_space<vmem>>
    %dma_start3A_506 = arith.constant 0 : i32
    %dma_start3A_507 = tpu.memref_slice %arg7[%add3A_479, %dma_start3A_506] : memref<10240x128xf32, #tpu.memory_space<vmem_shared>> -> memref<80x128xf32, #tpu.memory_space<vmem_shared>>
    %dma_start3A_508 = tpu.memref_slice %arg8[%dma_start3A_501] : memref<3x!tpu.dma_semaphore, #tpu.memory_space<semaphore_mem>> -> memref<1x!tpu.dma_semaphore, #tpu.memory_space<semaphore_mem>>
    %dma_start3A_509 = tpu.memref_squeeze %dma_start3A_508 : memref<1x!tpu.dma_semaphore, #tpu.memory_space<semaphore_mem>> -> memref<!tpu.dma_semaphore, #tpu.memory_space<semaphore_mem>>
    %dma_start3A_510 = arith.constant 0 : i32
    %dma_start3A_511 = arith.constant 0 : i32
    %dma_start3A_512 = tpu.memref_slice %arg6[%dma_start3A_500, %dma_start3A_510, %dma_start3A_511] : memref<3x80x128xf32, #tpu.memory_space<vmem>> -> memref<1x80x128xf32, #tpu.memory_space<vmem>>
    %dma_start3A_513 = tpu.memref_squeeze %dma_start3A_512 : memref<1x80x128xf32, #tpu.memory_space<vmem>> -> memref<80x128xf32, #tpu.memory_space<vmem>>
    %dma_start3A_514 = arith.constant 0 : i32
    %dma_start3A_515 = tpu.memref_slice %arg7[%add3A_479, %dma_start3A_514] : memref<10240x128xf32, #tpu.memory_space<vmem_shared>> -> memref<80x128xf32, #tpu.memory_space<vmem_shared>>
    tpu.enqueue_dma source(%dma_start3A_515 : memref<80x128xf32, #tpu.memory_space<vmem_shared>>) target(%dma_start3A_513 : memref<80x128xf32, #tpu.memory_space<vmem>>) target_semaphore(%dma_start3A_509 : memref<!tpu.dma_semaphore, #tpu.memory_space<semaphore_mem>>)
    %dma_wait3A_516 = arith.constant 0 : i32
    %dma_wait3A_517 = arith.constant 0 : i32
    %dma_wait3A_518 = arith.constant 0 : i32
    %dma_wait3A_519 = arith.constant 0 : i32
    %dma_wait3A_520 = tpu.memref_slice %arg6[%dma_wait3A_516, %dma_wait3A_518, %dma_wait3A_519] : memref<3x80x128xf32, #tpu.memory_space<vmem>> -> memref<1x80x128xf32, #tpu.memory_space<vmem>>
    %dma_wait3A_521 = tpu.memref_squeeze %dma_wait3A_520 : memref<1x80x128xf32, #tpu.memory_space<vmem>> -> memref<80x128xf32, #tpu.memory_space<vmem>>
    %dma_wait3A_522 = arith.constant 0 : i32
    %dma_wait3A_523 = tpu.memref_slice %arg7[%add3A_479, %dma_wait3A_522] : memref<10240x128xf32, #tpu.memory_space<vmem_shared>> -> memref<80x128xf32, #tpu.memory_space<vmem_shared>>
    %dma_wait3A_524 = tpu.memref_slice %arg8[%dma_wait3A_517] : memref<3x!tpu.dma_semaphore, #tpu.memory_space<semaphore_mem>> -> memref<1x!tpu.dma_semaphore, #tpu.memory_space<semaphore_mem>>
    %dma_wait3A_525 = tpu.memref_squeeze %dma_wait3A_524 : memref<1x!tpu.dma_semaphore, #tpu.memory_space<semaphore_mem>> -> memref<!tpu.dma_semaphore, #tpu.memory_space<semaphore_mem>>
    %dma_wait3A_526 = arith.constant 0 : i32
    %dma_wait3A_527 = arith.constant 0 : i32
    %dma_wait3A_528 = tpu.memref_slice %arg6[%dma_wait3A_516, %dma_wait3A_526, %dma_wait3A_527] : memref<3x80x128xf32, #tpu.memory_space<vmem>> -> memref<1x80x128xf32, #tpu.memory_space<vmem>>
    %dma_wait3A_529 = tpu.memref_squeeze %dma_wait3A_528 : memref<1x80x128xf32, #tpu.memory_space<vmem>> -> memref<80x128xf32, #tpu.memory_space<vmem>>
    %dma_wait3A_530 = arith.constant 0 : i32
    %dma_wait3A_531 = tpu.memref_slice %arg7[%add3A_479, %dma_wait3A_530] : memref<10240x128xf32, #tpu.memory_space<vmem_shared>> -> memref<80x128xf32, #tpu.memory_space<vmem_shared>>
    tpu.wait_dma2 semaphore(%dma_wait3A_525 : memref<!tpu.dma_semaphore, #tpu.memory_space<semaphore_mem>>) src(%dma_wait3A_531 : memref<80x128xf32, #tpu.memory_space<vmem_shared>>) dst(%dma_wait3A_529 : memref<80x128xf32, #tpu.memory_space<vmem>>)
    %dma_start3A_532 = arith.constant 0 : i32
    %dma_start3A_533 = arith.constant 0 : i32
    %dma_start3A_534 = arith.constant 0 : i32
    %dma_start3A_535 = arith.constant 0 : i32
    %dma_start3A_536 = tpu.memref_slice %arg6[%dma_start3A_532, %dma_start3A_534, %dma_start3A_535] : memref<3x80x128xf32, #tpu.memory_space<vmem>> -> memref<1x80x128xf32, #tpu.memory_space<vmem>>
    %dma_start3A_537 = tpu.memref_squeeze %dma_start3A_536 : memref<1x80x128xf32, #tpu.memory_space<vmem>> -> memref<80x128xf32, #tpu.memory_space<vmem>>
    %dma_start3A_538 = arith.constant 0 : i32
    %dma_start3A_539 = tpu.memref_slice %arg4[%arg0, %add3A_479, %dma_start3A_538] : memref<2x10240x128xf32, #tpu.memory_space<hbm>> -> memref<1x80x128xf32, #tpu.memory_space<hbm>>
    %dma_start3A_540 = tpu.memref_squeeze %dma_start3A_539 : memref<1x80x128xf32, #tpu.memory_space<hbm>> -> memref<80x128xf32, #tpu.memory_space<hbm>>
    %dma_start3A_541 = tpu.memref_slice %arg9[%dma_start3A_533] : memref<3x!tpu.dma_semaphore, #tpu.memory_space<semaphore_mem>> -> memref<1x!tpu.dma_semaphore, #tpu.memory_space<semaphore_mem>>
    %dma_start3A_542 = tpu.memref_squeeze %dma_start3A_541 : memref<1x!tpu.dma_semaphore, #tpu.memory_space<semaphore_mem>> -> memref<!tpu.dma_semaphore, #tpu.memory_space<semaphore_mem>>
    %dma_start3A_543 = arith.constant 0 : i32
    %dma_start3A_544 = tpu.memref_slice %arg4[%arg0, %add3A_479, %dma_start3A_543] : memref<2x10240x128xf32, #tpu.memory_space<hbm>> -> memref<1x80x128xf32, #tpu.memory_space<hbm>>
    %dma_start3A_545 = tpu.memref_squeeze %dma_start3A_544 : memref<1x80x128xf32, #tpu.memory_space<hbm>> -> memref<80x128xf32, #tpu.memory_space<hbm>>
    %dma_start3A_546 = arith.constant 0 : i32
    %dma_start3A_547 = arith.constant 0 : i32
    %dma_start3A_548 = tpu.memref_slice %arg6[%dma_start3A_532, %dma_start3A_546, %dma_start3A_547] : memref<3x80x128xf32, #tpu.memory_space<vmem>> -> memref<1x80x128xf32, #tpu.memory_space<vmem>>
    %dma_start3A_549 = tpu.memref_squeeze %dma_start3A_548 : memref<1x80x128xf32, #tpu.memory_space<vmem>> -> memref<80x128xf32, #tpu.memory_space<vmem>>
    tpu.enqueue_dma source(%dma_start3A_549 : memref<80x128xf32, #tpu.memory_space<vmem>>) target(%dma_start3A_545 : memref<80x128xf32, #tpu.memory_space<hbm>>) target_semaphore(%dma_start3A_542 : memref<!tpu.dma_semaphore, #tpu.memory_space<semaphore_mem>>)
    %add3A_550 = arith.constant 240 : i32
    %add3A_551 = arith.addi %mul3A_4, %add3A_550 : i32
    %add3A_552 = arith.constant 80 : i32
    %add3A_553 = arith.addi %mul3A_4, %add3A_552 : i32
    %dma_wait3A_554 = arith.constant 1 : i32
    %dma_wait3A_555 = arith.constant 1 : i32
    %dma_wait3A_556 = arith.constant 0 : i32
    %dma_wait3A_557 = arith.constant 0 : i32
    %dma_wait3A_558 = tpu.memref_slice %arg6[%dma_wait3A_554, %dma_wait3A_556, %dma_wait3A_557] : memref<3x80x128xf32, #tpu.memory_space<vmem>> -> memref<1x80x128xf32, #tpu.memory_space<vmem>>
    %dma_wait3A_559 = tpu.memref_squeeze %dma_wait3A_558 : memref<1x80x128xf32, #tpu.memory_space<vmem>> -> memref<80x128xf32, #tpu.memory_space<vmem>>
    %dma_wait3A_560 = arith.constant 0 : i32
    %dma_wait3A_561 = tpu.memref_slice %arg4[%arg0, %add3A_553, %dma_wait3A_560] : memref<2x10240x128xf32, #tpu.memory_space<hbm>> -> memref<1x80x128xf32, #tpu.memory_space<hbm>>
    %dma_wait3A_562 = tpu.memref_squeeze %dma_wait3A_561 : memref<1x80x128xf32, #tpu.memory_space<hbm>> -> memref<80x128xf32, #tpu.memory_space<hbm>>
    %dma_wait3A_563 = tpu.memref_slice %arg9[%dma_wait3A_555] : memref<3x!tpu.dma_semaphore, #tpu.memory_space<semaphore_mem>> -> memref<1x!tpu.dma_semaphore, #tpu.memory_space<semaphore_mem>>
    %dma_wait3A_564 = tpu.memref_squeeze %dma_wait3A_563 : memref<1x!tpu.dma_semaphore, #tpu.memory_space<semaphore_mem>> -> memref<!tpu.dma_semaphore, #tpu.memory_space<semaphore_mem>>
    %dma_wait3A_565 = arith.constant 0 : i32
    %dma_wait3A_566 = tpu.memref_slice %arg4[%arg0, %add3A_553, %dma_wait3A_565] : memref<2x10240x128xf32, #tpu.memory_space<hbm>> -> memref<1x80x128xf32, #tpu.memory_space<hbm>>
    %dma_wait3A_567 = tpu.memref_squeeze %dma_wait3A_566 : memref<1x80x128xf32, #tpu.memory_space<hbm>> -> memref<80x128xf32, #tpu.memory_space<hbm>>
    %dma_wait3A_568 = arith.constant 0 : i32
    %dma_wait3A_569 = arith.constant 0 : i32
    %dma_wait3A_570 = tpu.memref_slice %arg6[%dma_wait3A_554, %dma_wait3A_568, %dma_wait3A_569] : memref<3x80x128xf32, #tpu.memory_space<vmem>> -> memref<1x80x128xf32, #tpu.memory_space<vmem>>
    %dma_wait3A_571 = tpu.memref_squeeze %dma_wait3A_570 : memref<1x80x128xf32, #tpu.memory_space<vmem>> -> memref<80x128xf32, #tpu.memory_space<vmem>>
    tpu.wait_dma2 semaphore(%dma_wait3A_564 : memref<!tpu.dma_semaphore, #tpu.memory_space<semaphore_mem>>) src(%dma_wait3A_571 : memref<80x128xf32, #tpu.memory_space<vmem>>) dst(%dma_wait3A_567 : memref<80x128xf32, #tpu.memory_space<hbm>>)
    %dma_start3A_572 = arith.constant 1 : i32
    %dma_start3A_573 = arith.constant 1 : i32
    %dma_start3A_574 = arith.constant 0 : i32
    %dma_start3A_575 = arith.constant 0 : i32
    %dma_start3A_576 = tpu.memref_slice %arg6[%dma_start3A_572, %dma_start3A_574, %dma_start3A_575] : memref<3x80x128xf32, #tpu.memory_space<vmem>> -> memref<1x80x128xf32, #tpu.memory_space<vmem>>
    %dma_start3A_577 = tpu.memref_squeeze %dma_start3A_576 : memref<1x80x128xf32, #tpu.memory_space<vmem>> -> memref<80x128xf32, #tpu.memory_space<vmem>>
    %dma_start3A_578 = arith.constant 0 : i32
    %dma_start3A_579 = tpu.memref_slice %arg7[%add3A_551, %dma_start3A_578] : memref<10240x128xf32, #tpu.memory_space<vmem_shared>> -> memref<80x128xf32, #tpu.memory_space<vmem_shared>>
    %dma_start3A_580 = tpu.memref_slice %arg8[%dma_start3A_573] : memref<3x!tpu.dma_semaphore, #tpu.memory_space<semaphore_mem>> -> memref<1x!tpu.dma_semaphore, #tpu.memory_space<semaphore_mem>>
    %dma_start3A_581 = tpu.memref_squeeze %dma_start3A_580 : memref<1x!tpu.dma_semaphore, #tpu.memory_space<semaphore_mem>> -> memref<!tpu.dma_semaphore, #tpu.memory_space<semaphore_mem>>
    %dma_start3A_582 = arith.constant 0 : i32
    %dma_start3A_583 = arith.constant 0 : i32
    %dma_start3A_584 = tpu.memref_slice %arg6[%dma_start3A_572, %dma_start3A_582, %dma_start3A_583] : memref<3x80x128xf32, #tpu.memory_space<vmem>> -> memref<1x80x128xf32, #tpu.memory_space<vmem>>
    %dma_start3A_585 = tpu.memref_squeeze %dma_start3A_584 : memref<1x80x128xf32, #tpu.memory_space<vmem>> -> memref<80x128xf32, #tpu.memory_space<vmem>>
    %dma_start3A_586 = arith.constant 0 : i32
    %dma_start3A_587 = tpu.memref_slice %arg7[%add3A_551, %dma_start3A_586] : memref<10240x128xf32, #tpu.memory_space<vmem_shared>> -> memref<80x128xf32, #tpu.memory_space<vmem_shared>>
    tpu.enqueue_dma source(%dma_start3A_587 : memref<80x128xf32, #tpu.memory_space<vmem_shared>>) target(%dma_start3A_585 : memref<80x128xf32, #tpu.memory_space<vmem>>) target_semaphore(%dma_start3A_581 : memref<!tpu.dma_semaphore, #tpu.memory_space<semaphore_mem>>)
    %dma_wait3A_588 = arith.constant 1 : i32
    %dma_wait3A_589 = arith.constant 1 : i32
    %dma_wait3A_590 = arith.constant 0 : i32
    %dma_wait3A_591 = arith.constant 0 : i32
    %dma_wait3A_592 = tpu.memref_slice %arg6[%dma_wait3A_588, %dma_wait3A_590, %dma_wait3A_591] : memref<3x80x128xf32, #tpu.memory_space<vmem>> -> memref<1x80x128xf32, #tpu.memory_space<vmem>>
    %dma_wait3A_593 = tpu.memref_squeeze %dma_wait3A_592 : memref<1x80x128xf32, #tpu.memory_space<vmem>> -> memref<80x128xf32, #tpu.memory_space<vmem>>
    %dma_wait3A_594 = arith.constant 0 : i32
    %dma_wait3A_595 = tpu.memref_slice %arg7[%add3A_551, %dma_wait3A_594] : memref<10240x128xf32, #tpu.memory_space<vmem_shared>> -> memref<80x128xf32, #tpu.memory_space<vmem_shared>>
    %dma_wait3A_596 = tpu.memref_slice %arg8[%dma_wait3A_589] : memref<3x!tpu.dma_semaphore, #tpu.memory_space<semaphore_mem>> -> memref<1x!tpu.dma_semaphore, #tpu.memory_space<semaphore_mem>>
    %dma_wait3A_597 = tpu.memref_squeeze %dma_wait3A_596 : memref<1x!tpu.dma_semaphore, #tpu.memory_space<semaphore_mem>> -> memref<!tpu.dma_semaphore, #tpu.memory_space<semaphore_mem>>
    %dma_wait3A_598 = arith.constant 0 : i32
    %dma_wait3A_599 = arith.constant 0 : i32
    %dma_wait3A_600 = tpu.memref_slice %arg6[%dma_wait3A_588, %dma_wait3A_598, %dma_wait3A_599] : memref<3x80x128xf32, #tpu.memory_space<vmem>> -> memref<1x80x128xf32, #tpu.memory_space<vmem>>
    %dma_wait3A_601 = tpu.memref_squeeze %dma_wait3A_600 : memref<1x80x128xf32, #tpu.memory_space<vmem>> -> memref<80x128xf32, #tpu.memory_space<vmem>>
    %dma_wait3A_602 = arith.constant 0 : i32
    %dma_wait3A_603 = tpu.memref_slice %arg7[%add3A_551, %dma_wait3A_602] : memref<10240x128xf32, #tpu.memory_space<vmem_shared>> -> memref<80x128xf32, #tpu.memory_space<vmem_shared>>
    tpu.wait_dma2 semaphore(%dma_wait3A_597 : memref<!tpu.dma_semaphore, #tpu.memory_space<semaphore_mem>>) src(%dma_wait3A_603 : memref<80x128xf32, #tpu.memory_space<vmem_shared>>) dst(%dma_wait3A_601 : memref<80x128xf32, #tpu.memory_space<vmem>>)
    %dma_start3A_604 = arith.constant 1 : i32
    %dma_start3A_605 = arith.constant 1 : i32
    %dma_start3A_606 = arith.constant 0 : i32
    %dma_start3A_607 = arith.constant 0 : i32
    %dma_start3A_608 = tpu.memref_slice %arg6[%dma_start3A_604, %dma_start3A_606, %dma_start3A_607] : memref<3x80x128xf32, #tpu.memory_space<vmem>> -> memref<1x80x128xf32, #tpu.memory_space<vmem>>
    %dma_start3A_609 = tpu.memref_squeeze %dma_start3A_608 : memref<1x80x128xf32, #tpu.memory_space<vmem>> -> memref<80x128xf32, #tpu.memory_space<vmem>>
    %dma_start3A_610 = arith.constant 0 : i32
    %dma_start3A_611 = tpu.memref_slice %arg4[%arg0, %add3A_551, %dma_start3A_610] : memref<2x10240x128xf32, #tpu.memory_space<hbm>> -> memref<1x80x128xf32, #tpu.memory_space<hbm>>
    %dma_start3A_612 = tpu.memref_squeeze %dma_start3A_611 : memref<1x80x128xf32, #tpu.memory_space<hbm>> -> memref<80x128xf32, #tpu.memory_space<hbm>>
    %dma_start3A_613 = tpu.memref_slice %arg9[%dma_start3A_605] : memref<3x!tpu.dma_semaphore, #tpu.memory_space<semaphore_mem>> -> memref<1x!tpu.dma_semaphore, #tpu.memory_space<semaphore_mem>>
    %dma_start3A_614 = tpu.memref_squeeze %dma_start3A_613 : memref<1x!tpu.dma_semaphore, #tpu.memory_space<semaphore_mem>> -> memref<!tpu.dma_semaphore, #tpu.memory_space<semaphore_mem>>
    %dma_start3A_615 = arith.constant 0 : i32
    %dma_start3A_616 = tpu.memref_slice %arg4[%arg0, %add3A_551, %dma_start3A_615] : memref<2x10240x128xf32, #tpu.memory_space<hbm>> -> memref<1x80x128xf32, #tpu.memory_space<hbm>>
    %dma_start3A_617 = tpu.memref_squeeze %dma_start3A_616 : memref<1x80x128xf32, #tpu.memory_space<hbm>> -> memref<80x128xf32, #tpu.memory_space<hbm>>
    %dma_start3A_618 = arith.constant 0 : i32
    %dma_start3A_619 = arith.constant 0 : i32
    %dma_start3A_620 = tpu.memref_slice %arg6[%dma_start3A_604, %dma_start3A_618, %dma_start3A_619] : memref<3x80x128xf32, #tpu.memory_space<vmem>> -> memref<1x80x128xf32, #tpu.memory_space<vmem>>
    %dma_start3A_621 = tpu.memref_squeeze %dma_start3A_620 : memref<1x80x128xf32, #tpu.memory_space<vmem>> -> memref<80x128xf32, #tpu.memory_space<vmem>>
    tpu.enqueue_dma source(%dma_start3A_621 : memref<80x128xf32, #tpu.memory_space<vmem>>) target(%dma_start3A_617 : memref<80x128xf32, #tpu.memory_space<hbm>>) target_semaphore(%dma_start3A_614 : memref<!tpu.dma_semaphore, #tpu.memory_space<semaphore_mem>>)
    %add3A_622 = arith.constant 320 : i32
    %add3A_623 = arith.addi %mul3A_4, %add3A_622 : i32
    %add3A_624 = arith.constant 160 : i32
    %add3A_625 = arith.addi %mul3A_4, %add3A_624 : i32
    %dma_wait3A_626 = arith.constant 0 : i32
    %dma_wait3A_627 = arith.constant 0 : i32
    %dma_wait3A_628 = arith.constant 0 : i32
    %dma_wait3A_629 = arith.constant 0 : i32
    %dma_wait3A_630 = tpu.memref_slice %arg6[%dma_wait3A_626, %dma_wait3A_628, %dma_wait3A_629] : memref<3x80x128xf32, #tpu.memory_space<vmem>> -> memref<1x80x128xf32, #tpu.memory_space<vmem>>
    %dma_wait3A_631 = tpu.memref_squeeze %dma_wait3A_630 : memref<1x80x128xf32, #tpu.memory_space<vmem>> -> memref<80x128xf32, #tpu.memory_space<vmem>>
    %dma_wait3A_632 = arith.constant 0 : i32
    %dma_wait3A_633 = tpu.memref_slice %arg4[%arg0, %add3A_625, %dma_wait3A_632] : memref<2x10240x128xf32, #tpu.memory_space<hbm>> -> memref<1x80x128xf32, #tpu.memory_space<hbm>>
    %dma_wait3A_634 = tpu.memref_squeeze %dma_wait3A_633 : memref<1x80x128xf32, #tpu.memory_space<hbm>> -> memref<80x128xf32, #tpu.memory_space<hbm>>
    %dma_wait3A_635 = tpu.memref_slice %arg9[%dma_wait3A_627] : memref<3x!tpu.dma_semaphore, #tpu.memory_space<semaphore_mem>> -> memref<1x!tpu.dma_semaphore, #tpu.memory_space<semaphore_mem>>
    %dma_wait3A_636 = tpu.memref_squeeze %dma_wait3A_635 : memref<1x!tpu.dma_semaphore, #tpu.memory_space<semaphore_mem>> -> memref<!tpu.dma_semaphore, #tpu.memory_space<semaphore_mem>>
    %dma_wait3A_637 = arith.constant 0 : i32
    %dma_wait3A_638 = tpu.memref_slice %arg4[%arg0, %add3A_625, %dma_wait3A_637] : memref<2x10240x128xf32, #tpu.memory_space<hbm>> -> memref<1x80x128xf32, #tpu.memory_space<hbm>>
    %dma_wait3A_639 = tpu.memref_squeeze %dma_wait3A_638 : memref<1x80x128xf32, #tpu.memory_space<hbm>> -> memref<80x128xf32, #tpu.memory_space<hbm>>
    %dma_wait3A_640 = arith.constant 0 : i32
    %dma_wait3A_641 = arith.constant 0 : i32
    %dma_wait3A_642 = tpu.memref_slice %arg6[%dma_wait3A_626, %dma_wait3A_640, %dma_wait3A_641] : memref<3x80x128xf32, #tpu.memory_space<vmem>> -> memref<1x80x128xf32, #tpu.memory_space<vmem>>
    %dma_wait3A_643 = tpu.memref_squeeze %dma_wait3A_642 : memref<1x80x128xf32, #tpu.memory_space<vmem>> -> memref<80x128xf32, #tpu.memory_space<vmem>>
    tpu.wait_dma2 semaphore(%dma_wait3A_636 : memref<!tpu.dma_semaphore, #tpu.memory_space<semaphore_mem>>) src(%dma_wait3A_643 : memref<80x128xf32, #tpu.memory_space<vmem>>) dst(%dma_wait3A_639 : memref<80x128xf32, #tpu.memory_space<hbm>>)
    %dma_start3A_644 = arith.constant 0 : i32
    %dma_start3A_645 = arith.constant 0 : i32
    %dma_start3A_646 = arith.constant 0 : i32
    %dma_start3A_647 = arith.constant 0 : i32
    %dma_start3A_648 = tpu.memref_slice %arg6[%dma_start3A_644, %dma_start3A_646, %dma_start3A_647] : memref<3x80x128xf32, #tpu.memory_space<vmem>> -> memref<1x80x128xf32, #tpu.memory_space<vmem>>
    %dma_start3A_649 = tpu.memref_squeeze %dma_start3A_648 : memref<1x80x128xf32, #tpu.memory_space<vmem>> -> memref<80x128xf32, #tpu.memory_space<vmem>>
    %dma_start3A_650 = arith.constant 0 : i32
    %dma_start3A_651 = tpu.memref_slice %arg7[%add3A_623, %dma_start3A_650] : memref<10240x128xf32, #tpu.memory_space<vmem_shared>> -> memref<80x128xf32, #tpu.memory_space<vmem_shared>>
    %dma_start3A_652 = tpu.memref_slice %arg8[%dma_start3A_645] : memref<3x!tpu.dma_semaphore, #tpu.memory_space<semaphore_mem>> -> memref<1x!tpu.dma_semaphore, #tpu.memory_space<semaphore_mem>>
    %dma_start3A_653 = tpu.memref_squeeze %dma_start3A_652 : memref<1x!tpu.dma_semaphore, #tpu.memory_space<semaphore_mem>> -> memref<!tpu.dma_semaphore, #tpu.memory_space<semaphore_mem>>
    %dma_start3A_654 = arith.constant 0 : i32
    %dma_start3A_655 = arith.constant 0 : i32
    %dma_start3A_656 = tpu.memref_slice %arg6[%dma_start3A_644, %dma_start3A_654, %dma_start3A_655] : memref<3x80x128xf32, #tpu.memory_space<vmem>> -> memref<1x80x128xf32, #tpu.memory_space<vmem>>
    %dma_start3A_657 = tpu.memref_squeeze %dma_start3A_656 : memref<1x80x128xf32, #tpu.memory_space<vmem>> -> memref<80x128xf32, #tpu.memory_space<vmem>>
    %dma_start3A_658 = arith.constant 0 : i32
    %dma_start3A_659 = tpu.memref_slice %arg7[%add3A_623, %dma_start3A_658] : memref<10240x128xf32, #tpu.memory_space<vmem_shared>> -> memref<80x128xf32, #tpu.memory_space<vmem_shared>>
    tpu.enqueue_dma source(%dma_start3A_659 : memref<80x128xf32, #tpu.memory_space<vmem_shared>>) target(%dma_start3A_657 : memref<80x128xf32, #tpu.memory_space<vmem>>) target_semaphore(%dma_start3A_653 : memref<!tpu.dma_semaphore, #tpu.memory_space<semaphore_mem>>)
    %dma_wait3A_660 = arith.constant 0 : i32
    %dma_wait3A_661 = arith.constant 0 : i32
    %dma_wait3A_662 = arith.constant 0 : i32
    %dma_wait3A_663 = arith.constant 0 : i32
    %dma_wait3A_664 = tpu.memref_slice %arg6[%dma_wait3A_660, %dma_wait3A_662, %dma_wait3A_663] : memref<3x80x128xf32, #tpu.memory_space<vmem>> -> memref<1x80x128xf32, #tpu.memory_space<vmem>>
    %dma_wait3A_665 = tpu.memref_squeeze %dma_wait3A_664 : memref<1x80x128xf32, #tpu.memory_space<vmem>> -> memref<80x128xf32, #tpu.memory_space<vmem>>
    %dma_wait3A_666 = arith.constant 0 : i32
    %dma_wait3A_667 = tpu.memref_slice %arg7[%add3A_623, %dma_wait3A_666] : memref<10240x128xf32, #tpu.memory_space<vmem_shared>> -> memref<80x128xf32, #tpu.memory_space<vmem_shared>>
    %dma_wait3A_668 = tpu.memref_slice %arg8[%dma_wait3A_661] : memref<3x!tpu.dma_semaphore, #tpu.memory_space<semaphore_mem>> -> memref<1x!tpu.dma_semaphore, #tpu.memory_space<semaphore_mem>>
    %dma_wait3A_669 = tpu.memref_squeeze %dma_wait3A_668 : memref<1x!tpu.dma_semaphore, #tpu.memory_space<semaphore_mem>> -> memref<!tpu.dma_semaphore, #tpu.memory_space<semaphore_mem>>
    %dma_wait3A_670 = arith.constant 0 : i32
    %dma_wait3A_671 = arith.constant 0 : i32
    %dma_wait3A_672 = tpu.memref_slice %arg6[%dma_wait3A_660, %dma_wait3A_670, %dma_wait3A_671] : memref<3x80x128xf32, #tpu.memory_space<vmem>> -> memref<1x80x128xf32, #tpu.memory_space<vmem>>
    %dma_wait3A_673 = tpu.memref_squeeze %dma_wait3A_672 : memref<1x80x128xf32, #tpu.memory_space<vmem>> -> memref<80x128xf32, #tpu.memory_space<vmem>>
    %dma_wait3A_674 = arith.constant 0 : i32
    %dma_wait3A_675 = tpu.memref_slice %arg7[%add3A_623, %dma_wait3A_674] : memref<10240x128xf32, #tpu.memory_space<vmem_shared>> -> memref<80x128xf32, #tpu.memory_space<vmem_shared>>
    tpu.wait_dma2 semaphore(%dma_wait3A_669 : memref<!tpu.dma_semaphore, #tpu.memory_space<semaphore_mem>>) src(%dma_wait3A_675 : memref<80x128xf32, #tpu.memory_space<vmem_shared>>) dst(%dma_wait3A_673 : memref<80x128xf32, #tpu.memory_space<vmem>>)
    %dma_start3A_676 = arith.constant 0 : i32
    %dma_start3A_677 = arith.constant 0 : i32
    %dma_start3A_678 = arith.constant 0 : i32
    %dma_start3A_679 = arith.constant 0 : i32
    %dma_start3A_680 = tpu.memref_slice %arg6[%dma_start3A_676, %dma_start3A_678, %dma_start3A_679] : memref<3x80x128xf32, #tpu.memory_space<vmem>> -> memref<1x80x128xf32, #tpu.memory_space<vmem>>
    %dma_start3A_681 = tpu.memref_squeeze %dma_start3A_680 : memref<1x80x128xf32, #tpu.memory_space<vmem>> -> memref<80x128xf32, #tpu.memory_space<vmem>>
    %dma_start3A_682 = arith.constant 0 : i32
    %dma_start3A_683 = tpu.memref_slice %arg4[%arg0, %add3A_623, %dma_start3A_682] : memref<2x10240x128xf32, #tpu.memory_space<hbm>> -> memref<1x80x128xf32, #tpu.memory_space<hbm>>
    %dma_start3A_684 = tpu.memref_squeeze %dma_start3A_683 : memref<1x80x128xf32, #tpu.memory_space<hbm>> -> memref<80x128xf32, #tpu.memory_space<hbm>>
    %dma_start3A_685 = tpu.memref_slice %arg9[%dma_start3A_677] : memref<3x!tpu.dma_semaphore, #tpu.memory_space<semaphore_mem>> -> memref<1x!tpu.dma_semaphore, #tpu.memory_space<semaphore_mem>>
    %dma_start3A_686 = tpu.memref_squeeze %dma_start3A_685 : memref<1x!tpu.dma_semaphore, #tpu.memory_space<semaphore_mem>> -> memref<!tpu.dma_semaphore, #tpu.memory_space<semaphore_mem>>
    %dma_start3A_687 = arith.constant 0 : i32
    %dma_start3A_688 = tpu.memref_slice %arg4[%arg0, %add3A_623, %dma_start3A_687] : memref<2x10240x128xf32, #tpu.memory_space<hbm>> -> memref<1x80x128xf32, #tpu.memory_space<hbm>>
    %dma_start3A_689 = tpu.memref_squeeze %dma_start3A_688 : memref<1x80x128xf32, #tpu.memory_space<hbm>> -> memref<80x128xf32, #tpu.memory_space<hbm>>
    %dma_start3A_690 = arith.constant 0 : i32
    %dma_start3A_691 = arith.constant 0 : i32
    %dma_start3A_692 = tpu.memref_slice %arg6[%dma_start3A_676, %dma_start3A_690, %dma_start3A_691] : memref<3x80x128xf32, #tpu.memory_space<vmem>> -> memref<1x80x128xf32, #tpu.memory_space<vmem>>
    %dma_start3A_693 = tpu.memref_squeeze %dma_start3A_692 : memref<1x80x128xf32, #tpu.memory_space<vmem>> -> memref<80x128xf32, #tpu.memory_space<vmem>>
    tpu.enqueue_dma source(%dma_start3A_693 : memref<80x128xf32, #tpu.memory_space<vmem>>) target(%dma_start3A_689 : memref<80x128xf32, #tpu.memory_space<hbm>>) target_semaphore(%dma_start3A_686 : memref<!tpu.dma_semaphore, #tpu.memory_space<semaphore_mem>>)
    %add3A_694 = arith.constant 400 : i32
    %add3A_695 = arith.addi %mul3A_4, %add3A_694 : i32
    %add3A_696 = arith.constant 240 : i32
    %add3A_697 = arith.addi %mul3A_4, %add3A_696 : i32
    %dma_wait3A_698 = arith.constant 1 : i32
    %dma_wait3A_699 = arith.constant 1 : i32
    %dma_wait3A_700 = arith.constant 0 : i32
    %dma_wait3A_701 = arith.constant 0 : i32
    %dma_wait3A_702 = tpu.memref_slice %arg6[%dma_wait3A_698, %dma_wait3A_700, %dma_wait3A_701] : memref<3x80x128xf32, #tpu.memory_space<vmem>> -> memref<1x80x128xf32, #tpu.memory_space<vmem>>
    %dma_wait3A_703 = tpu.memref_squeeze %dma_wait3A_702 : memref<1x80x128xf32, #tpu.memory_space<vmem>> -> memref<80x128xf32, #tpu.memory_space<vmem>>
    %dma_wait3A_704 = arith.constant 0 : i32
    %dma_wait3A_705 = tpu.memref_slice %arg4[%arg0, %add3A_697, %dma_wait3A_704] : memref<2x10240x128xf32, #tpu.memory_space<hbm>> -> memref<1x80x128xf32, #tpu.memory_space<hbm>>
    %dma_wait3A_706 = tpu.memref_squeeze %dma_wait3A_705 : memref<1x80x128xf32, #tpu.memory_space<hbm>> -> memref<80x128xf32, #tpu.memory_space<hbm>>
    %dma_wait3A_707 = tpu.memref_slice %arg9[%dma_wait3A_699] : memref<3x!tpu.dma_semaphore, #tpu.memory_space<semaphore_mem>> -> memref<1x!tpu.dma_semaphore, #tpu.memory_space<semaphore_mem>>
    %dma_wait3A_708 = tpu.memref_squeeze %dma_wait3A_707 : memref<1x!tpu.dma_semaphore, #tpu.memory_space<semaphore_mem>> -> memref<!tpu.dma_semaphore, #tpu.memory_space<semaphore_mem>>
    %dma_wait3A_709 = arith.constant 0 : i32
    %dma_wait3A_710 = tpu.memref_slice %arg4[%arg0, %add3A_697, %dma_wait3A_709] : memref<2x10240x128xf32, #tpu.memory_space<hbm>> -> memref<1x80x128xf32, #tpu.memory_space<hbm>>
    %dma_wait3A_711 = tpu.memref_squeeze %dma_wait3A_710 : memref<1x80x128xf32, #tpu.memory_space<hbm>> -> memref<80x128xf32, #tpu.memory_space<hbm>>
    %dma_wait3A_712 = arith.constant 0 : i32
    %dma_wait3A_713 = arith.constant 0 : i32
    %dma_wait3A_714 = tpu.memref_slice %arg6[%dma_wait3A_698, %dma_wait3A_712, %dma_wait3A_713] : memref<3x80x128xf32, #tpu.memory_space<vmem>> -> memref<1x80x128xf32, #tpu.memory_space<vmem>>
    %dma_wait3A_715 = tpu.memref_squeeze %dma_wait3A_714 : memref<1x80x128xf32, #tpu.memory_space<vmem>> -> memref<80x128xf32, #tpu.memory_space<vmem>>
    tpu.wait_dma2 semaphore(%dma_wait3A_708 : memref<!tpu.dma_semaphore, #tpu.memory_space<semaphore_mem>>) src(%dma_wait3A_715 : memref<80x128xf32, #tpu.memory_space<vmem>>) dst(%dma_wait3A_711 : memref<80x128xf32, #tpu.memory_space<hbm>>)
    %dma_start3A_716 = arith.constant 1 : i32
    %dma_start3A_717 = arith.constant 1 : i32
    %dma_start3A_718 = arith.constant 0 : i32
    %dma_start3A_719 = arith.constant 0 : i32
    %dma_start3A_720 = tpu.memref_slice %arg6[%dma_start3A_716, %dma_start3A_718, %dma_start3A_719] : memref<3x80x128xf32, #tpu.memory_space<vmem>> -> memref<1x80x128xf32, #tpu.memory_space<vmem>>
    %dma_start3A_721 = tpu.memref_squeeze %dma_start3A_720 : memref<1x80x128xf32, #tpu.memory_space<vmem>> -> memref<80x128xf32, #tpu.memory_space<vmem>>
    %dma_start3A_722 = arith.constant 0 : i32
    %dma_start3A_723 = tpu.memref_slice %arg7[%add3A_695, %dma_start3A_722] : memref<10240x128xf32, #tpu.memory_space<vmem_shared>> -> memref<80x128xf32, #tpu.memory_space<vmem_shared>>
    %dma_start3A_724 = tpu.memref_slice %arg8[%dma_start3A_717] : memref<3x!tpu.dma_semaphore, #tpu.memory_space<semaphore_mem>> -> memref<1x!tpu.dma_semaphore, #tpu.memory_space<semaphore_mem>>
    %dma_start3A_725 = tpu.memref_squeeze %dma_start3A_724 : memref<1x!tpu.dma_semaphore, #tpu.memory_space<semaphore_mem>> -> memref<!tpu.dma_semaphore, #tpu.memory_space<semaphore_mem>>
    %dma_start3A_726 = arith.constant 0 : i32
    %dma_start3A_727 = arith.constant 0 : i32
    %dma_start3A_728 = tpu.memref_slice %arg6[%dma_start3A_716, %dma_start3A_726, %dma_start3A_727] : memref<3x80x128xf32, #tpu.memory_space<vmem>> -> memref<1x80x128xf32, #tpu.memory_space<vmem>>
    %dma_start3A_729 = tpu.memref_squeeze %dma_start3A_728 : memref<1x80x128xf32, #tpu.memory_space<vmem>> -> memref<80x128xf32, #tpu.memory_space<vmem>>
    %dma_start3A_730 = arith.constant 0 : i32
    %dma_start3A_731 = tpu.memref_slice %arg7[%add3A_695, %dma_start3A_730] : memref<10240x128xf32, #tpu.memory_space<vmem_shared>> -> memref<80x128xf32, #tpu.memory_space<vmem_shared>>
    tpu.enqueue_dma source(%dma_start3A_731 : memref<80x128xf32, #tpu.memory_space<vmem_shared>>) target(%dma_start3A_729 : memref<80x128xf32, #tpu.memory_space<vmem>>) target_semaphore(%dma_start3A_725 : memref<!tpu.dma_semaphore, #tpu.memory_space<semaphore_mem>>)
    %dma_wait3A_732 = arith.constant 1 : i32
    %dma_wait3A_733 = arith.constant 1 : i32
    %dma_wait3A_734 = arith.constant 0 : i32
    %dma_wait3A_735 = arith.constant 0 : i32
    %dma_wait3A_736 = tpu.memref_slice %arg6[%dma_wait3A_732, %dma_wait3A_734, %dma_wait3A_735] : memref<3x80x128xf32, #tpu.memory_space<vmem>> -> memref<1x80x128xf32, #tpu.memory_space<vmem>>
    %dma_wait3A_737 = tpu.memref_squeeze %dma_wait3A_736 : memref<1x80x128xf32, #tpu.memory_space<vmem>> -> memref<80x128xf32, #tpu.memory_space<vmem>>
    %dma_wait3A_738 = arith.constant 0 : i32
    %dma_wait3A_739 = tpu.memref_slice %arg7[%add3A_695, %dma_wait3A_738] : memref<10240x128xf32, #tpu.memory_space<vmem_shared>> -> memref<80x128xf32, #tpu.memory_space<vmem_shared>>
    %dma_wait3A_740 = tpu.memref_slice %arg8[%dma_wait3A_733] : memref<3x!tpu.dma_semaphore, #tpu.memory_space<semaphore_mem>> -> memref<1x!tpu.dma_semaphore, #tpu.memory_space<semaphore_mem>>
    %dma_wait3A_741 = tpu.memref_squeeze %dma_wait3A_740 : memref<1x!tpu.dma_semaphore, #tpu.memory_space<semaphore_mem>> -> memref<!tpu.dma_semaphore, #tpu.memory_space<semaphore_mem>>
    %dma_wait3A_742 = arith.constant 0 : i32
    %dma_wait3A_743 = arith.constant 0 : i32
    %dma_wait3A_744 = tpu.memref_slice %arg6[%dma_wait3A_732, %dma_wait3A_742, %dma_wait3A_743] : memref<3x80x128xf32, #tpu.memory_space<vmem>> -> memref<1x80x128xf32, #tpu.memory_space<vmem>>
    %dma_wait3A_745 = tpu.memref_squeeze %dma_wait3A_744 : memref<1x80x128xf32, #tpu.memory_space<vmem>> -> memref<80x128xf32, #tpu.memory_space<vmem>>
    %dma_wait3A_746 = arith.constant 0 : i32
    %dma_wait3A_747 = tpu.memref_slice %arg7[%add3A_695, %dma_wait3A_746] : memref<10240x128xf32, #tpu.memory_space<vmem_shared>> -> memref<80x128xf32, #tpu.memory_space<vmem_shared>>
    tpu.wait_dma2 semaphore(%dma_wait3A_741 : memref<!tpu.dma_semaphore, #tpu.memory_space<semaphore_mem>>) src(%dma_wait3A_747 : memref<80x128xf32, #tpu.memory_space<vmem_shared>>) dst(%dma_wait3A_745 : memref<80x128xf32, #tpu.memory_space<vmem>>)
    %dma_start3A_748 = arith.constant 1 : i32
    %dma_start3A_749 = arith.constant 1 : i32
    %dma_start3A_750 = arith.constant 0 : i32
    %dma_start3A_751 = arith.constant 0 : i32
    %dma_start3A_752 = tpu.memref_slice %arg6[%dma_start3A_748, %dma_start3A_750, %dma_start3A_751] : memref<3x80x128xf32, #tpu.memory_space<vmem>> -> memref<1x80x128xf32, #tpu.memory_space<vmem>>
    %dma_start3A_753 = tpu.memref_squeeze %dma_start3A_752 : memref<1x80x128xf32, #tpu.memory_space<vmem>> -> memref<80x128xf32, #tpu.memory_space<vmem>>
    %dma_start3A_754 = arith.constant 0 : i32
    %dma_start3A_755 = tpu.memref_slice %arg4[%arg0, %add3A_695, %dma_start3A_754] : memref<2x10240x128xf32, #tpu.memory_space<hbm>> -> memref<1x80x128xf32, #tpu.memory_space<hbm>>
    %dma_start3A_756 = tpu.memref_squeeze %dma_start3A_755 : memref<1x80x128xf32, #tpu.memory_space<hbm>> -> memref<80x128xf32, #tpu.memory_space<hbm>>
    %dma_start3A_757 = tpu.memref_slice %arg9[%dma_start3A_749] : memref<3x!tpu.dma_semaphore, #tpu.memory_space<semaphore_mem>> -> memref<1x!tpu.dma_semaphore, #tpu.memory_space<semaphore_mem>>
    %dma_start3A_758 = tpu.memref_squeeze %dma_start3A_757 : memref<1x!tpu.dma_semaphore, #tpu.memory_space<semaphore_mem>> -> memref<!tpu.dma_semaphore, #tpu.memory_space<semaphore_mem>>
    %dma_start3A_759 = arith.constant 0 : i32
    %dma_start3A_760 = tpu.memref_slice %arg4[%arg0, %add3A_695, %dma_start3A_759] : memref<2x10240x128xf32, #tpu.memory_space<hbm>> -> memref<1x80x128xf32, #tpu.memory_space<hbm>>
    %dma_start3A_761 = tpu.memref_squeeze %dma_start3A_760 : memref<1x80x128xf32, #tpu.memory_space<hbm>> -> memref<80x128xf32, #tpu.memory_space<hbm>>
    %dma_start3A_762 = arith.constant 0 : i32
    %dma_start3A_763 = arith.constant 0 : i32
    %dma_start3A_764 = tpu.memref_slice %arg6[%dma_start3A_748, %dma_start3A_762, %dma_start3A_763] : memref<3x80x128xf32, #tpu.memory_space<vmem>> -> memref<1x80x128xf32, #tpu.memory_space<vmem>>
    %dma_start3A_765 = tpu.memref_squeeze %dma_start3A_764 : memref<1x80x128xf32, #tpu.memory_space<vmem>> -> memref<80x128xf32, #tpu.memory_space<vmem>>
    tpu.enqueue_dma source(%dma_start3A_765 : memref<80x128xf32, #tpu.memory_space<vmem>>) target(%dma_start3A_761 : memref<80x128xf32, #tpu.memory_space<hbm>>) target_semaphore(%dma_start3A_758 : memref<!tpu.dma_semaphore, #tpu.memory_space<semaphore_mem>>)
    %add3A_766 = arith.constant 480 : i32
    %add3A_767 = arith.addi %mul3A_4, %add3A_766 : i32
    %add3A_768 = arith.constant 320 : i32
    %add3A_769 = arith.addi %mul3A_4, %add3A_768 : i32
    %dma_wait3A_770 = arith.constant 0 : i32
    %dma_wait3A_771 = arith.constant 0 : i32
    %dma_wait3A_772 = arith.constant 0 : i32
    %dma_wait3A_773 = arith.constant 0 : i32
    %dma_wait3A_774 = tpu.memref_slice %arg6[%dma_wait3A_770, %dma_wait3A_772, %dma_wait3A_773] : memref<3x80x128xf32, #tpu.memory_space<vmem>> -> memref<1x80x128xf32, #tpu.memory_space<vmem>>
    %dma_wait3A_775 = tpu.memref_squeeze %dma_wait3A_774 : memref<1x80x128xf32, #tpu.memory_space<vmem>> -> memref<80x128xf32, #tpu.memory_space<vmem>>
    %dma_wait3A_776 = arith.constant 0 : i32
    %dma_wait3A_777 = tpu.memref_slice %arg4[%arg0, %add3A_769, %dma_wait3A_776] : memref<2x10240x128xf32, #tpu.memory_space<hbm>> -> memref<1x80x128xf32, #tpu.memory_space<hbm>>
    %dma_wait3A_778 = tpu.memref_squeeze %dma_wait3A_777 : memref<1x80x128xf32, #tpu.memory_space<hbm>> -> memref<80x128xf32, #tpu.memory_space<hbm>>
    %dma_wait3A_779 = tpu.memref_slice %arg9[%dma_wait3A_771] : memref<3x!tpu.dma_semaphore, #tpu.memory_space<semaphore_mem>> -> memref<1x!tpu.dma_semaphore, #tpu.memory_space<semaphore_mem>>
    %dma_wait3A_780 = tpu.memref_squeeze %dma_wait3A_779 : memref<1x!tpu.dma_semaphore, #tpu.memory_space<semaphore_mem>> -> memref<!tpu.dma_semaphore, #tpu.memory_space<semaphore_mem>>
    %dma_wait3A_781 = arith.constant 0 : i32
    %dma_wait3A_782 = tpu.memref_slice %arg4[%arg0, %add3A_769, %dma_wait3A_781] : memref<2x10240x128xf32, #tpu.memory_space<hbm>> -> memref<1x80x128xf32, #tpu.memory_space<hbm>>
    %dma_wait3A_783 = tpu.memref_squeeze %dma_wait3A_782 : memref<1x80x128xf32, #tpu.memory_space<hbm>> -> memref<80x128xf32, #tpu.memory_space<hbm>>
    %dma_wait3A_784 = arith.constant 0 : i32
    %dma_wait3A_785 = arith.constant 0 : i32
    %dma_wait3A_786 = tpu.memref_slice %arg6[%dma_wait3A_770, %dma_wait3A_784, %dma_wait3A_785] : memref<3x80x128xf32, #tpu.memory_space<vmem>> -> memref<1x80x128xf32, #tpu.memory_space<vmem>>
    %dma_wait3A_787 = tpu.memref_squeeze %dma_wait3A_786 : memref<1x80x128xf32, #tpu.memory_space<vmem>> -> memref<80x128xf32, #tpu.memory_space<vmem>>
    tpu.wait_dma2 semaphore(%dma_wait3A_780 : memref<!tpu.dma_semaphore, #tpu.memory_space<semaphore_mem>>) src(%dma_wait3A_787 : memref<80x128xf32, #tpu.memory_space<vmem>>) dst(%dma_wait3A_783 : memref<80x128xf32, #tpu.memory_space<hbm>>)
    %dma_start3A_788 = arith.constant 0 : i32
    %dma_start3A_789 = arith.constant 0 : i32
    %dma_start3A_790 = arith.constant 0 : i32
    %dma_start3A_791 = arith.constant 0 : i32
    %dma_start3A_792 = tpu.memref_slice %arg6[%dma_start3A_788, %dma_start3A_790, %dma_start3A_791] : memref<3x80x128xf32, #tpu.memory_space<vmem>> -> memref<1x80x128xf32, #tpu.memory_space<vmem>>
    %dma_start3A_793 = tpu.memref_squeeze %dma_start3A_792 : memref<1x80x128xf32, #tpu.memory_space<vmem>> -> memref<80x128xf32, #tpu.memory_space<vmem>>
    %dma_start3A_794 = arith.constant 0 : i32
    %dma_start3A_795 = tpu.memref_slice %arg7[%add3A_767, %dma_start3A_794] : memref<10240x128xf32, #tpu.memory_space<vmem_shared>> -> memref<80x128xf32, #tpu.memory_space<vmem_shared>>
    %dma_start3A_796 = tpu.memref_slice %arg8[%dma_start3A_789] : memref<3x!tpu.dma_semaphore, #tpu.memory_space<semaphore_mem>> -> memref<1x!tpu.dma_semaphore, #tpu.memory_space<semaphore_mem>>
    %dma_start3A_797 = tpu.memref_squeeze %dma_start3A_796 : memref<1x!tpu.dma_semaphore, #tpu.memory_space<semaphore_mem>> -> memref<!tpu.dma_semaphore, #tpu.memory_space<semaphore_mem>>
    %dma_start3A_798 = arith.constant 0 : i32
    %dma_start3A_799 = arith.constant 0 : i32
    %dma_start3A_800 = tpu.memref_slice %arg6[%dma_start3A_788, %dma_start3A_798, %dma_start3A_799] : memref<3x80x128xf32, #tpu.memory_space<vmem>> -> memref<1x80x128xf32, #tpu.memory_space<vmem>>
    %dma_start3A_801 = tpu.memref_squeeze %dma_start3A_800 : memref<1x80x128xf32, #tpu.memory_space<vmem>> -> memref<80x128xf32, #tpu.memory_space<vmem>>
    %dma_start3A_802 = arith.constant 0 : i32
    %dma_start3A_803 = tpu.memref_slice %arg7[%add3A_767, %dma_start3A_802] : memref<10240x128xf32, #tpu.memory_space<vmem_shared>> -> memref<80x128xf32, #tpu.memory_space<vmem_shared>>
    tpu.enqueue_dma source(%dma_start3A_803 : memref<80x128xf32, #tpu.memory_space<vmem_shared>>) target(%dma_start3A_801 : memref<80x128xf32, #tpu.memory_space<vmem>>) target_semaphore(%dma_start3A_797 : memref<!tpu.dma_semaphore, #tpu.memory_space<semaphore_mem>>)
    %dma_wait3A_804 = arith.constant 0 : i32
    %dma_wait3A_805 = arith.constant 0 : i32
    %dma_wait3A_806 = arith.constant 0 : i32
    %dma_wait3A_807 = arith.constant 0 : i32
    %dma_wait3A_808 = tpu.memref_slice %arg6[%dma_wait3A_804, %dma_wait3A_806, %dma_wait3A_807] : memref<3x80x128xf32, #tpu.memory_space<vmem>> -> memref<1x80x128xf32, #tpu.memory_space<vmem>>
    %dma_wait3A_809 = tpu.memref_squeeze %dma_wait3A_808 : memref<1x80x128xf32, #tpu.memory_space<vmem>> -> memref<80x128xf32, #tpu.memory_space<vmem>>
    %dma_wait3A_810 = arith.constant 0 : i32
    %dma_wait3A_811 = tpu.memref_slice %arg7[%add3A_767, %dma_wait3A_810] : memref<10240x128xf32, #tpu.memory_space<vmem_shared>> -> memref<80x128xf32, #tpu.memory_space<vmem_shared>>
    %dma_wait3A_812 = tpu.memref_slice %arg8[%dma_wait3A_805] : memref<3x!tpu.dma_semaphore, #tpu.memory_space<semaphore_mem>> -> memref<1x!tpu.dma_semaphore, #tpu.memory_space<semaphore_mem>>
    %dma_wait3A_813 = tpu.memref_squeeze %dma_wait3A_812 : memref<1x!tpu.dma_semaphore, #tpu.memory_space<semaphore_mem>> -> memref<!tpu.dma_semaphore, #tpu.memory_space<semaphore_mem>>
    %dma_wait3A_814 = arith.constant 0 : i32
    %dma_wait3A_815 = arith.constant 0 : i32
    %dma_wait3A_816 = tpu.memref_slice %arg6[%dma_wait3A_804, %dma_wait3A_814, %dma_wait3A_815] : memref<3x80x128xf32, #tpu.memory_space<vmem>> -> memref<1x80x128xf32, #tpu.memory_space<vmem>>
    %dma_wait3A_817 = tpu.memref_squeeze %dma_wait3A_816 : memref<1x80x128xf32, #tpu.memory_space<vmem>> -> memref<80x128xf32, #tpu.memory_space<vmem>>
    %dma_wait3A_818 = arith.constant 0 : i32
    %dma_wait3A_819 = tpu.memref_slice %arg7[%add3A_767, %dma_wait3A_818] : memref<10240x128xf32, #tpu.memory_space<vmem_shared>> -> memref<80x128xf32, #tpu.memory_space<vmem_shared>>
    tpu.wait_dma2 semaphore(%dma_wait3A_813 : memref<!tpu.dma_semaphore, #tpu.memory_space<semaphore_mem>>) src(%dma_wait3A_819 : memref<80x128xf32, #tpu.memory_space<vmem_shared>>) dst(%dma_wait3A_817 : memref<80x128xf32, #tpu.memory_space<vmem>>)
    %dma_start3A_820 = arith.constant 0 : i32
    %dma_start3A_821 = arith.constant 0 : i32
    %dma_start3A_822 = arith.constant 0 : i32
    %dma_start3A_823 = arith.constant 0 : i32
    %dma_start3A_824 = tpu.memref_slice %arg6[%dma_start3A_820, %dma_start3A_822, %dma_start3A_823] : memref<3x80x128xf32, #tpu.memory_space<vmem>> -> memref<1x80x128xf32, #tpu.memory_space<vmem>>
    %dma_start3A_825 = tpu.memref_squeeze %dma_start3A_824 : memref<1x80x128xf32, #tpu.memory_space<vmem>> -> memref<80x128xf32, #tpu.memory_space<vmem>>
    %dma_start3A_826 = arith.constant 0 : i32
    %dma_start3A_827 = tpu.memref_slice %arg4[%arg0, %add3A_767, %dma_start3A_826] : memref<2x10240x128xf32, #tpu.memory_space<hbm>> -> memref<1x80x128xf32, #tpu.memory_space<hbm>>
    %dma_start3A_828 = tpu.memref_squeeze %dma_start3A_827 : memref<1x80x128xf32, #tpu.memory_space<hbm>> -> memref<80x128xf32, #tpu.memory_space<hbm>>
    %dma_start3A_829 = tpu.memref_slice %arg9[%dma_start3A_821] : memref<3x!tpu.dma_semaphore, #tpu.memory_space<semaphore_mem>> -> memref<1x!tpu.dma_semaphore, #tpu.memory_space<semaphore_mem>>
    %dma_start3A_830 = tpu.memref_squeeze %dma_start3A_829 : memref<1x!tpu.dma_semaphore, #tpu.memory_space<semaphore_mem>> -> memref<!tpu.dma_semaphore, #tpu.memory_space<semaphore_mem>>
    %dma_start3A_831 = arith.constant 0 : i32
    %dma_start3A_832 = tpu.memref_slice %arg4[%arg0, %add3A_767, %dma_start3A_831] : memref<2x10240x128xf32, #tpu.memory_space<hbm>> -> memref<1x80x128xf32, #tpu.memory_space<hbm>>
    %dma_start3A_833 = tpu.memref_squeeze %dma_start3A_832 : memref<1x80x128xf32, #tpu.memory_space<hbm>> -> memref<80x128xf32, #tpu.memory_space<hbm>>
    %dma_start3A_834 = arith.constant 0 : i32
    %dma_start3A_835 = arith.constant 0 : i32
    %dma_start3A_836 = tpu.memref_slice %arg6[%dma_start3A_820, %dma_start3A_834, %dma_start3A_835] : memref<3x80x128xf32, #tpu.memory_space<vmem>> -> memref<1x80x128xf32, #tpu.memory_space<vmem>>
    %dma_start3A_837 = tpu.memref_squeeze %dma_start3A_836 : memref<1x80x128xf32, #tpu.memory_space<vmem>> -> memref<80x128xf32, #tpu.memory_space<vmem>>
    tpu.enqueue_dma source(%dma_start3A_837 : memref<80x128xf32, #tpu.memory_space<vmem>>) target(%dma_start3A_833 : memref<80x128xf32, #tpu.memory_space<hbm>>) target_semaphore(%dma_start3A_830 : memref<!tpu.dma_semaphore, #tpu.memory_space<semaphore_mem>>)
    %add3A_838 = arith.constant 560 : i32
    %add3A_839 = arith.addi %mul3A_4, %add3A_838 : i32
    %add3A_840 = arith.constant 400 : i32
    %add3A_841 = arith.addi %mul3A_4, %add3A_840 : i32
    %dma_wait3A_842 = arith.constant 1 : i32
    %dma_wait3A_843 = arith.constant 1 : i32
    %dma_wait3A_844 = arith.constant 0 : i32
    %dma_wait3A_845 = arith.constant 0 : i32
    %dma_wait3A_846 = tpu.memref_slice %arg6[%dma_wait3A_842, %dma_wait3A_844, %dma_wait3A_845] : memref<3x80x128xf32, #tpu.memory_space<vmem>> -> memref<1x80x128xf32, #tpu.memory_space<vmem>>
    %dma_wait3A_847 = tpu.memref_squeeze %dma_wait3A_846 : memref<1x80x128xf32, #tpu.memory_space<vmem>> -> memref<80x128xf32, #tpu.memory_space<vmem>>
    %dma_wait3A_848 = arith.constant 0 : i32
    %dma_wait3A_849 = tpu.memref_slice %arg4[%arg0, %add3A_841, %dma_wait3A_848] : memref<2x10240x128xf32, #tpu.memory_space<hbm>> -> memref<1x80x128xf32, #tpu.memory_space<hbm>>
    %dma_wait3A_850 = tpu.memref_squeeze %dma_wait3A_849 : memref<1x80x128xf32, #tpu.memory_space<hbm>> -> memref<80x128xf32, #tpu.memory_space<hbm>>
    %dma_wait3A_851 = tpu.memref_slice %arg9[%dma_wait3A_843] : memref<3x!tpu.dma_semaphore, #tpu.memory_space<semaphore_mem>> -> memref<1x!tpu.dma_semaphore, #tpu.memory_space<semaphore_mem>>
    %dma_wait3A_852 = tpu.memref_squeeze %dma_wait3A_851 : memref<1x!tpu.dma_semaphore, #tpu.memory_space<semaphore_mem>> -> memref<!tpu.dma_semaphore, #tpu.memory_space<semaphore_mem>>
    %dma_wait3A_853 = arith.constant 0 : i32
    %dma_wait3A_854 = tpu.memref_slice %arg4[%arg0, %add3A_841, %dma_wait3A_853] : memref<2x10240x128xf32, #tpu.memory_space<hbm>> -> memref<1x80x128xf32, #tpu.memory_space<hbm>>
    %dma_wait3A_855 = tpu.memref_squeeze %dma_wait3A_854 : memref<1x80x128xf32, #tpu.memory_space<hbm>> -> memref<80x128xf32, #tpu.memory_space<hbm>>
    %dma_wait3A_856 = arith.constant 0 : i32
    %dma_wait3A_857 = arith.constant 0 : i32
    %dma_wait3A_858 = tpu.memref_slice %arg6[%dma_wait3A_842, %dma_wait3A_856, %dma_wait3A_857] : memref<3x80x128xf32, #tpu.memory_space<vmem>> -> memref<1x80x128xf32, #tpu.memory_space<vmem>>
    %dma_wait3A_859 = tpu.memref_squeeze %dma_wait3A_858 : memref<1x80x128xf32, #tpu.memory_space<vmem>> -> memref<80x128xf32, #tpu.memory_space<vmem>>
    tpu.wait_dma2 semaphore(%dma_wait3A_852 : memref<!tpu.dma_semaphore, #tpu.memory_space<semaphore_mem>>) src(%dma_wait3A_859 : memref<80x128xf32, #tpu.memory_space<vmem>>) dst(%dma_wait3A_855 : memref<80x128xf32, #tpu.memory_space<hbm>>)
    %dma_start3A_860 = arith.constant 1 : i32
    %dma_start3A_861 = arith.constant 1 : i32
    %dma_start3A_862 = arith.constant 0 : i32
    %dma_start3A_863 = arith.constant 0 : i32
    %dma_start3A_864 = tpu.memref_slice %arg6[%dma_start3A_860, %dma_start3A_862, %dma_start3A_863] : memref<3x80x128xf32, #tpu.memory_space<vmem>> -> memref<1x80x128xf32, #tpu.memory_space<vmem>>
    %dma_start3A_865 = tpu.memref_squeeze %dma_start3A_864 : memref<1x80x128xf32, #tpu.memory_space<vmem>> -> memref<80x128xf32, #tpu.memory_space<vmem>>
    %dma_start3A_866 = arith.constant 0 : i32
    %dma_start3A_867 = tpu.memref_slice %arg7[%add3A_839, %dma_start3A_866] : memref<10240x128xf32, #tpu.memory_space<vmem_shared>> -> memref<80x128xf32, #tpu.memory_space<vmem_shared>>
    %dma_start3A_868 = tpu.memref_slice %arg8[%dma_start3A_861] : memref<3x!tpu.dma_semaphore, #tpu.memory_space<semaphore_mem>> -> memref<1x!tpu.dma_semaphore, #tpu.memory_space<semaphore_mem>>
    %dma_start3A_869 = tpu.memref_squeeze %dma_start3A_868 : memref<1x!tpu.dma_semaphore, #tpu.memory_space<semaphore_mem>> -> memref<!tpu.dma_semaphore, #tpu.memory_space<semaphore_mem>>
    %dma_start3A_870 = arith.constant 0 : i32
    %dma_start3A_871 = arith.constant 0 : i32
    %dma_start3A_872 = tpu.memref_slice %arg6[%dma_start3A_860, %dma_start3A_870, %dma_start3A_871] : memref<3x80x128xf32, #tpu.memory_space<vmem>> -> memref<1x80x128xf32, #tpu.memory_space<vmem>>
    %dma_start3A_873 = tpu.memref_squeeze %dma_start3A_872 : memref<1x80x128xf32, #tpu.memory_space<vmem>> -> memref<80x128xf32, #tpu.memory_space<vmem>>
    %dma_start3A_874 = arith.constant 0 : i32
    %dma_start3A_875 = tpu.memref_slice %arg7[%add3A_839, %dma_start3A_874] : memref<10240x128xf32, #tpu.memory_space<vmem_shared>> -> memref<80x128xf32, #tpu.memory_space<vmem_shared>>
    tpu.enqueue_dma source(%dma_start3A_875 : memref<80x128xf32, #tpu.memory_space<vmem_shared>>) target(%dma_start3A_873 : memref<80x128xf32, #tpu.memory_space<vmem>>) target_semaphore(%dma_start3A_869 : memref<!tpu.dma_semaphore, #tpu.memory_space<semaphore_mem>>)
    %dma_wait3A_876 = arith.constant 1 : i32
    %dma_wait3A_877 = arith.constant 1 : i32
    %dma_wait3A_878 = arith.constant 0 : i32
    %dma_wait3A_879 = arith.constant 0 : i32
    %dma_wait3A_880 = tpu.memref_slice %arg6[%dma_wait3A_876, %dma_wait3A_878, %dma_wait3A_879] : memref<3x80x128xf32, #tpu.memory_space<vmem>> -> memref<1x80x128xf32, #tpu.memory_space<vmem>>
    %dma_wait3A_881 = tpu.memref_squeeze %dma_wait3A_880 : memref<1x80x128xf32, #tpu.memory_space<vmem>> -> memref<80x128xf32, #tpu.memory_space<vmem>>
    %dma_wait3A_882 = arith.constant 0 : i32
    %dma_wait3A_883 = tpu.memref_slice %arg7[%add3A_839, %dma_wait3A_882] : memref<10240x128xf32, #tpu.memory_space<vmem_shared>> -> memref<80x128xf32, #tpu.memory_space<vmem_shared>>
    %dma_wait3A_884 = tpu.memref_slice %arg8[%dma_wait3A_877] : memref<3x!tpu.dma_semaphore, #tpu.memory_space<semaphore_mem>> -> memref<1x!tpu.dma_semaphore, #tpu.memory_space<semaphore_mem>>
    %dma_wait3A_885 = tpu.memref_squeeze %dma_wait3A_884 : memref<1x!tpu.dma_semaphore, #tpu.memory_space<semaphore_mem>> -> memref<!tpu.dma_semaphore, #tpu.memory_space<semaphore_mem>>
    %dma_wait3A_886 = arith.constant 0 : i32
    %dma_wait3A_887 = arith.constant 0 : i32
    %dma_wait3A_888 = tpu.memref_slice %arg6[%dma_wait3A_876, %dma_wait3A_886, %dma_wait3A_887] : memref<3x80x128xf32, #tpu.memory_space<vmem>> -> memref<1x80x128xf32, #tpu.memory_space<vmem>>
    %dma_wait3A_889 = tpu.memref_squeeze %dma_wait3A_888 : memref<1x80x128xf32, #tpu.memory_space<vmem>> -> memref<80x128xf32, #tpu.memory_space<vmem>>
    %dma_wait3A_890 = arith.constant 0 : i32
    %dma_wait3A_891 = tpu.memref_slice %arg7[%add3A_839, %dma_wait3A_890] : memref<10240x128xf32, #tpu.memory_space<vmem_shared>> -> memref<80x128xf32, #tpu.memory_space<vmem_shared>>
    tpu.wait_dma2 semaphore(%dma_wait3A_885 : memref<!tpu.dma_semaphore, #tpu.memory_space<semaphore_mem>>) src(%dma_wait3A_891 : memref<80x128xf32, #tpu.memory_space<vmem_shared>>) dst(%dma_wait3A_889 : memref<80x128xf32, #tpu.memory_space<vmem>>)
    %dma_start3A_892 = arith.constant 1 : i32
    %dma_start3A_893 = arith.constant 1 : i32
    %dma_start3A_894 = arith.constant 0 : i32
    %dma_start3A_895 = arith.constant 0 : i32
    %dma_start3A_896 = tpu.memref_slice %arg6[%dma_start3A_892, %dma_start3A_894, %dma_start3A_895] : memref<3x80x128xf32, #tpu.memory_space<vmem>> -> memref<1x80x128xf32, #tpu.memory_space<vmem>>
    %dma_start3A_897 = tpu.memref_squeeze %dma_start3A_896 : memref<1x80x128xf32, #tpu.memory_space<vmem>> -> memref<80x128xf32, #tpu.memory_space<vmem>>
    %dma_start3A_898 = arith.constant 0 : i32
    %dma_start3A_899 = tpu.memref_slice %arg4[%arg0, %add3A_839, %dma_start3A_898] : memref<2x10240x128xf32, #tpu.memory_space<hbm>> -> memref<1x80x128xf32, #tpu.memory_space<hbm>>
    %dma_start3A_900 = tpu.memref_squeeze %dma_start3A_899 : memref<1x80x128xf32, #tpu.memory_space<hbm>> -> memref<80x128xf32, #tpu.memory_space<hbm>>
    %dma_start3A_901 = tpu.memref_slice %arg9[%dma_start3A_893] : memref<3x!tpu.dma_semaphore, #tpu.memory_space<semaphore_mem>> -> memref<1x!tpu.dma_semaphore, #tpu.memory_space<semaphore_mem>>
    %dma_start3A_902 = tpu.memref_squeeze %dma_start3A_901 : memref<1x!tpu.dma_semaphore, #tpu.memory_space<semaphore_mem>> -> memref<!tpu.dma_semaphore, #tpu.memory_space<semaphore_mem>>
    %dma_start3A_903 = arith.constant 0 : i32
    %dma_start3A_904 = tpu.memref_slice %arg4[%arg0, %add3A_839, %dma_start3A_903] : memref<2x10240x128xf32, #tpu.memory_space<hbm>> -> memref<1x80x128xf32, #tpu.memory_space<hbm>>
    %dma_start3A_905 = tpu.memref_squeeze %dma_start3A_904 : memref<1x80x128xf32, #tpu.memory_space<hbm>> -> memref<80x128xf32, #tpu.memory_space<hbm>>
    %dma_start3A_906 = arith.constant 0 : i32
    %dma_start3A_907 = arith.constant 0 : i32
    %dma_start3A_908 = tpu.memref_slice %arg6[%dma_start3A_892, %dma_start3A_906, %dma_start3A_907] : memref<3x80x128xf32, #tpu.memory_space<vmem>> -> memref<1x80x128xf32, #tpu.memory_space<vmem>>
    %dma_start3A_909 = tpu.memref_squeeze %dma_start3A_908 : memref<1x80x128xf32, #tpu.memory_space<vmem>> -> memref<80x128xf32, #tpu.memory_space<vmem>>
    tpu.enqueue_dma source(%dma_start3A_909 : memref<80x128xf32, #tpu.memory_space<vmem>>) target(%dma_start3A_905 : memref<80x128xf32, #tpu.memory_space<hbm>>) target_semaphore(%dma_start3A_902 : memref<!tpu.dma_semaphore, #tpu.memory_space<semaphore_mem>>)
    %add3A_910 = arith.constant 480 : i32
    %add3A_911 = arith.addi %mul3A_4, %add3A_910 : i32
    %dma_wait3A_912 = arith.constant 0 : i32
    %dma_wait3A_913 = arith.constant 0 : i32
    %dma_wait3A_914 = arith.constant 0 : i32
    %dma_wait3A_915 = arith.constant 0 : i32
    %dma_wait3A_916 = tpu.memref_slice %arg6[%dma_wait3A_912, %dma_wait3A_914, %dma_wait3A_915] : memref<3x80x128xf32, #tpu.memory_space<vmem>> -> memref<1x80x128xf32, #tpu.memory_space<vmem>>
    %dma_wait3A_917 = tpu.memref_squeeze %dma_wait3A_916 : memref<1x80x128xf32, #tpu.memory_space<vmem>> -> memref<80x128xf32, #tpu.memory_space<vmem>>
    %dma_wait3A_918 = arith.constant 0 : i32
    %dma_wait3A_919 = tpu.memref_slice %arg4[%arg0, %add3A_911, %dma_wait3A_918] : memref<2x10240x128xf32, #tpu.memory_space<hbm>> -> memref<1x80x128xf32, #tpu.memory_space<hbm>>
    %dma_wait3A_920 = tpu.memref_squeeze %dma_wait3A_919 : memref<1x80x128xf32, #tpu.memory_space<hbm>> -> memref<80x128xf32, #tpu.memory_space<hbm>>
    %dma_wait3A_921 = tpu.memref_slice %arg9[%dma_wait3A_913] : memref<3x!tpu.dma_semaphore, #tpu.memory_space<semaphore_mem>> -> memref<1x!tpu.dma_semaphore, #tpu.memory_space<semaphore_mem>>
    %dma_wait3A_922 = tpu.memref_squeeze %dma_wait3A_921 : memref<1x!tpu.dma_semaphore, #tpu.memory_space<semaphore_mem>> -> memref<!tpu.dma_semaphore, #tpu.memory_space<semaphore_mem>>
    %dma_wait3A_923 = arith.constant 0 : i32
    %dma_wait3A_924 = tpu.memref_slice %arg4[%arg0, %add3A_911, %dma_wait3A_923] : memref<2x10240x128xf32, #tpu.memory_space<hbm>> -> memref<1x80x128xf32, #tpu.memory_space<hbm>>
    %dma_wait3A_925 = tpu.memref_squeeze %dma_wait3A_924 : memref<1x80x128xf32, #tpu.memory_space<hbm>> -> memref<80x128xf32, #tpu.memory_space<hbm>>
    %dma_wait3A_926 = arith.constant 0 : i32
    %dma_wait3A_927 = arith.constant 0 : i32
    %dma_wait3A_928 = tpu.memref_slice %arg6[%dma_wait3A_912, %dma_wait3A_926, %dma_wait3A_927] : memref<3x80x128xf32, #tpu.memory_space<vmem>> -> memref<1x80x128xf32, #tpu.memory_space<vmem>>
    %dma_wait3A_929 = tpu.memref_squeeze %dma_wait3A_928 : memref<1x80x128xf32, #tpu.memory_space<vmem>> -> memref<80x128xf32, #tpu.memory_space<vmem>>
    tpu.wait_dma2 semaphore(%dma_wait3A_922 : memref<!tpu.dma_semaphore, #tpu.memory_space<semaphore_mem>>) src(%dma_wait3A_929 : memref<80x128xf32, #tpu.memory_space<vmem>>) dst(%dma_wait3A_925 : memref<80x128xf32, #tpu.memory_space<hbm>>)
    %add3A_930 = arith.constant 560 : i32
    %add3A_931 = arith.addi %mul3A_4, %add3A_930 : i32
    %dma_wait3A_932 = arith.constant 1 : i32
    %dma_wait3A_933 = arith.constant 1 : i32
    %dma_wait3A_934 = arith.constant 0 : i32
    %dma_wait3A_935 = arith.constant 0 : i32
    %dma_wait3A_936 = tpu.memref_slice %arg6[%dma_wait3A_932, %dma_wait3A_934, %dma_wait3A_935] : memref<3x80x128xf32, #tpu.memory_space<vmem>> -> memref<1x80x128xf32, #tpu.memory_space<vmem>>
    %dma_wait3A_937 = tpu.memref_squeeze %dma_wait3A_936 : memref<1x80x128xf32, #tpu.memory_space<vmem>> -> memref<80x128xf32, #tpu.memory_space<vmem>>
    %dma_wait3A_938 = arith.constant 0 : i32
    %dma_wait3A_939 = tpu.memref_slice %arg4[%arg0, %add3A_931, %dma_wait3A_938] : memref<2x10240x128xf32, #tpu.memory_space<hbm>> -> memref<1x80x128xf32, #tpu.memory_space<hbm>>
    %dma_wait3A_940 = tpu.memref_squeeze %dma_wait3A_939 : memref<1x80x128xf32, #tpu.memory_space<hbm>> -> memref<80x128xf32, #tpu.memory_space<hbm>>
    %dma_wait3A_941 = tpu.memref_slice %arg9[%dma_wait3A_933] : memref<3x!tpu.dma_semaphore, #tpu.memory_space<semaphore_mem>> -> memref<1x!tpu.dma_semaphore, #tpu.memory_space<semaphore_mem>>
    %dma_wait3A_942 = tpu.memref_squeeze %dma_wait3A_941 : memref<1x!tpu.dma_semaphore, #tpu.memory_space<semaphore_mem>> -> memref<!tpu.dma_semaphore, #tpu.memory_space<semaphore_mem>>
    %dma_wait3A_943 = arith.constant 0 : i32
    %dma_wait3A_944 = tpu.memref_slice %arg4[%arg0, %add3A_931, %dma_wait3A_943] : memref<2x10240x128xf32, #tpu.memory_space<hbm>> -> memref<1x80x128xf32, #tpu.memory_space<hbm>>
    %dma_wait3A_945 = tpu.memref_squeeze %dma_wait3A_944 : memref<1x80x128xf32, #tpu.memory_space<hbm>> -> memref<80x128xf32, #tpu.memory_space<hbm>>
    %dma_wait3A_946 = arith.constant 0 : i32
    %dma_wait3A_947 = arith.constant 0 : i32
    %dma_wait3A_948 = tpu.memref_slice %arg6[%dma_wait3A_932, %dma_wait3A_946, %dma_wait3A_947] : memref<3x80x128xf32, #tpu.memory_space<vmem>> -> memref<1x80x128xf32, #tpu.memory_space<vmem>>
    %dma_wait3A_949 = tpu.memref_squeeze %dma_wait3A_948 : memref<1x80x128xf32, #tpu.memory_space<vmem>> -> memref<80x128xf32, #tpu.memory_space<vmem>>
    tpu.wait_dma2 semaphore(%dma_wait3A_942 : memref<!tpu.dma_semaphore, #tpu.memory_space<semaphore_mem>>) src(%dma_wait3A_949 : memref<80x128xf32, #tpu.memory_space<vmem>>) dst(%dma_wait3A_945 : memref<80x128xf32, #tpu.memory_space<hbm>>)
    return
  }
}

module attributes {stable_mosaic.version = 14 : i64} {
  func.func @_mlp_block(%arg0: i32, %arg1: memref<5000x128xf32, #tpu.memory_space<vmem>>, %arg2: memref<2x5000x128xf32, #tpu.memory_space<vmem>>, %arg3: memref<128x128xf32, #tpu.memory_space<vmem>>, %arg4: memref<128x128xf32, #tpu.memory_space<vmem>>, %arg5: memref<128x128xf32, #tpu.memory_space<vmem>>, %arg6: memref<128x128xf32, #tpu.memory_space<vmem>>, %arg7: memref<1x128xf32, #tpu.memory_space<vmem>>, %arg8: memref<1x128xf32, #tpu.memory_space<vmem>>, %arg9: memref<1x128xf32, #tpu.memory_space<vmem>>, %arg10: memref<1x128xf32, #tpu.memory_space<vmem>>, %arg11: memref<1x128xf32, #tpu.memory_space<vmem>>, %arg12: memref<5000x128xf32, #tpu.memory_space<vmem>>) attributes {dimension_semantics = [#tpu.dimension_semantics<parallel>], iteration_bounds = array<i64: 2>, scalar_prefetch = 0 : i64, scratch_operands = 0 : i64, tpu.core_type = #tpu.core_type<tc>, window_params = [{transform_indices = @transform_0, window_bounds = array<i64: 5000, 128>}, {transform_indices = @transform_1, window_bounds = array<i64: 2, 5000, 128>}, {pipeline_mode = #tpu.pipeline_mode<synchronous>, transform_indices = @transform_2, window_bounds = array<i64: 128, 128>}, {pipeline_mode = #tpu.pipeline_mode<synchronous>, transform_indices = @transform_3, window_bounds = array<i64: 128, 128>}, {pipeline_mode = #tpu.pipeline_mode<synchronous>, transform_indices = @transform_4, window_bounds = array<i64: 128, 128>}, {pipeline_mode = #tpu.pipeline_mode<synchronous>, transform_indices = @transform_5, window_bounds = array<i64: 128, 128>}, {pipeline_mode = #tpu.pipeline_mode<synchronous>, transform_indices = @transform_6, window_bounds = array<i64: 1, 128>}, {pipeline_mode = #tpu.pipeline_mode<synchronous>, transform_indices = @transform_7, window_bounds = array<i64: 1, 128>}, {pipeline_mode = #tpu.pipeline_mode<synchronous>, transform_indices = @transform_8, window_bounds = array<i64: 1, 128>}, {pipeline_mode = #tpu.pipeline_mode<synchronous>, transform_indices = @transform_9, window_bounds = array<i64: 1, 128>}, {pipeline_mode = #tpu.pipeline_mode<synchronous>, transform_indices = @transform_10, window_bounds = array<i64: 1, 128>}, {transform_indices = @transform_11, window_bounds = array<i64: 5000, 128>}]} {
    %get3A = arith.constant 0 : index
    %get3A_0 = arith.constant 0 : index
    %get3A_1 = vector.load %arg1[%get3A, %get3A_0] : memref<5000x128xf32, #tpu.memory_space<vmem>>, vector<5000x128xf32>
    %get3A_2 = arith.constant 0 : index
    %get3A_3 = arith.constant 0 : index
    %get3A_4 = arith.constant 0 : index
    %get3A_5 = vector.load %arg2[%get3A_2, %get3A_3, %get3A_4] : memref<2x5000x128xf32, #tpu.memory_space<vmem>>, vector<1x5000x128xf32>
    %get3A_6 = vector.shape_cast %get3A_5 : vector<1x5000x128xf32> to vector<5000x128xf32>
    %get3A_7 = arith.constant 1 : index
    %get3A_8 = arith.constant 0 : index
    %get3A_9 = arith.constant 0 : index
    %get3A_10 = vector.load %arg2[%get3A_7, %get3A_8, %get3A_9] : memref<2x5000x128xf32, #tpu.memory_space<vmem>>, vector<1x5000x128xf32>
    %get3A_11 = vector.shape_cast %get3A_10 : vector<1x5000x128xf32> to vector<5000x128xf32>
    %add3A = arith.addf %get3A_6, %get3A_11 : vector<5000x128xf32>
    %get3A_12 = arith.constant 0 : index
    %get3A_13 = arith.constant 0 : index
    %get3A_14 = vector.load %arg3[%get3A_12, %get3A_13] : memref<128x128xf32, #tpu.memory_space<vmem>>, vector<128x128xf32>
    %dot_general3A = arith.constant dense<0.000000e+00> : vector<5000x128xf32>
    %dot_general3A_15 = tpu.matmul %get3A_1, %get3A_14, %dot_general3A {dimension_numbers = #tpu.dot_dimension_numbers<[1], [0], [0], [1], [0, 0, 1, 1], [], []>, transpose_lhs_hint = false} : vector<5000x128xf32>, vector<128x128xf32>, vector<5000x128xf32> -> vector<5000x128xf32>
    %get3A_16 = arith.constant 0 : index
    %get3A_17 = arith.constant 0 : index
    %get3A_18 = vector.load %arg4[%get3A_16, %get3A_17] : memref<128x128xf32, #tpu.memory_space<vmem>>, vector<128x128xf32>
    %dot_general3A_19 = arith.constant dense<0.000000e+00> : vector<5000x128xf32>
    %dot_general3A_20 = tpu.matmul %add3A, %get3A_18, %dot_general3A_19 {dimension_numbers = #tpu.dot_dimension_numbers<[1], [0], [0], [1], [0, 0, 1, 1], [], []>, transpose_lhs_hint = false} : vector<5000x128xf32>, vector<128x128xf32>, vector<5000x128xf32> -> vector<5000x128xf32>
    %add3A_21 = arith.addf %dot_general3A_15, %dot_general3A_20 : vector<5000x128xf32>
    %get3A_22 = arith.constant 0 : index
    %get3A_23 = arith.constant 0 : index
    %get3A_24 = vector.load %arg7[%get3A_22, %get3A_23] : memref<1x128xf32, #tpu.memory_space<vmem>>, vector<1x128xf32>
    %add3A_25 = vector.broadcast %get3A_24 : vector<1x128xf32> to vector<5000x128xf32>
    %add3A_26 = arith.addf %add3A_21, %add3A_25 : vector<5000x128xf32>
    %max3A = arith.constant 0.000000e+00 : f32
    %max3A_27 = vector.broadcast %max3A : f32 to vector<5000x128xf32>
    %max3A_28 = arith.maximumf %add3A_26, %max3A_27 : vector<5000x128xf32>
    %get3A_29 = arith.constant 0 : index
    %get3A_30 = arith.constant 0 : index
    %get3A_31 = vector.load %arg5[%get3A_29, %get3A_30] : memref<128x128xf32, #tpu.memory_space<vmem>>, vector<128x128xf32>
    %dot_general3A_32 = arith.constant dense<0.000000e+00> : vector<5000x128xf32>
    %dot_general3A_33 = tpu.matmul %max3A_28, %get3A_31, %dot_general3A_32 {dimension_numbers = #tpu.dot_dimension_numbers<[1], [0], [0], [1], [0, 0, 1, 1], [], []>, transpose_lhs_hint = false} : vector<5000x128xf32>, vector<128x128xf32>, vector<5000x128xf32> -> vector<5000x128xf32>
    %get3A_34 = arith.constant 0 : index
    %get3A_35 = arith.constant 0 : index
    %get3A_36 = vector.load %arg8[%get3A_34, %get3A_35] : memref<1x128xf32, #tpu.memory_space<vmem>>, vector<1x128xf32>
    %add3A_37 = vector.broadcast %get3A_36 : vector<1x128xf32> to vector<5000x128xf32>
    %add3A_38 = arith.addf %dot_general3A_33, %add3A_37 : vector<5000x128xf32>
    %max3A_39 = arith.constant 0.000000e+00 : f32
    %max3A_40 = vector.broadcast %max3A_39 : f32 to vector<5000x128xf32>
    %max3A_41 = arith.maximumf %add3A_38, %max3A_40 : vector<5000x128xf32>
    %get3A_42 = arith.constant 0 : index
    %get3A_43 = arith.constant 0 : index
    %get3A_44 = vector.load %arg6[%get3A_42, %get3A_43] : memref<128x128xf32, #tpu.memory_space<vmem>>, vector<128x128xf32>
    %dot_general3A_45 = arith.constant dense<0.000000e+00> : vector<5000x128xf32>
    %dot_general3A_46 = tpu.matmul %max3A_41, %get3A_44, %dot_general3A_45 {dimension_numbers = #tpu.dot_dimension_numbers<[1], [0], [0], [1], [0, 0, 1, 1], [], []>, transpose_lhs_hint = false} : vector<5000x128xf32>, vector<128x128xf32>, vector<5000x128xf32> -> vector<5000x128xf32>
    %get3A_47 = arith.constant 0 : index
    %get3A_48 = arith.constant 0 : index
    %get3A_49 = vector.load %arg9[%get3A_47, %get3A_48] : memref<1x128xf32, #tpu.memory_space<vmem>>, vector<1x128xf32>
    %add3A_50 = vector.broadcast %get3A_49 : vector<1x128xf32> to vector<5000x128xf32>
    %add3A_51 = arith.addf %dot_general3A_46, %add3A_50 : vector<5000x128xf32>
    %reduce_sum3A = arith.constant dense<0.000000e+00> : vector<5000xf32>
    %reduce_sum3A_52 = vector.multi_reduction <add>, %add3A_51, %reduce_sum3A [1] : vector<5000x128xf32> to vector<5000xf32>
    %broadcast_in_dim3A = vector.shape_cast %reduce_sum3A_52 : vector<5000xf32> to vector<5000x1xf32>
    %div3A = arith.constant 1.280000e+02 : f32
    %div3A_53 = vector.broadcast %div3A : f32 to vector<5000x1xf32>
    %div3A_54 = arith.divf %broadcast_in_dim3A, %div3A_53 : vector<5000x1xf32>
    %sub3A = vector.broadcast %div3A_54 : vector<5000x1xf32> to vector<5000x128xf32>
    %sub3A_55 = arith.subf %add3A_51, %sub3A : vector<5000x128xf32>
    %integer_pow3A = arith.mulf %sub3A_55, %sub3A_55 : vector<5000x128xf32>
    %reduce_sum3A_56 = arith.constant dense<0.000000e+00> : vector<5000xf32>
    %reduce_sum3A_57 = vector.multi_reduction <add>, %integer_pow3A, %reduce_sum3A_56 [1] : vector<5000x128xf32> to vector<5000xf32>
    %broadcast_in_dim3A_58 = vector.shape_cast %reduce_sum3A_57 : vector<5000xf32> to vector<5000x1xf32>
    %div3A_59 = arith.constant 1.280000e+02 : f32
    %div3A_60 = vector.broadcast %div3A_59 : f32 to vector<5000x1xf32>
    %div3A_61 = arith.divf %broadcast_in_dim3A_58, %div3A_60 : vector<5000x1xf32>
    %sub3A_62 = vector.broadcast %div3A_54 : vector<5000x1xf32> to vector<5000x128xf32>
    %sub3A_63 = arith.subf %add3A_51, %sub3A_62 : vector<5000x128xf32>
    %add3A_64 = arith.constant 9.99999974E-6 : f32
    %add3A_65 = vector.broadcast %add3A_64 : f32 to vector<5000x1xf32>
    %add3A_66 = arith.addf %div3A_61, %add3A_65 : vector<5000x1xf32>
    %rsqrt3A = math.rsqrt %add3A_66 : vector<5000x1xf32>
    %mul3A = vector.broadcast %rsqrt3A : vector<5000x1xf32> to vector<5000x128xf32>
    %mul3A_67 = arith.mulf %sub3A_63, %mul3A : vector<5000x128xf32>
    %get3A_68 = arith.constant 0 : index
    %get3A_69 = arith.constant 0 : index
    %get3A_70 = vector.load %arg10[%get3A_68, %get3A_69] : memref<1x128xf32, #tpu.memory_space<vmem>>, vector<1x128xf32>
    %mul3A_71 = vector.broadcast %get3A_70 : vector<1x128xf32> to vector<5000x128xf32>
    %mul3A_72 = arith.mulf %mul3A_67, %mul3A_71 : vector<5000x128xf32>
    %get3A_73 = arith.constant 0 : index
    %get3A_74 = arith.constant 0 : index
    %get3A_75 = vector.load %arg11[%get3A_73, %get3A_74] : memref<1x128xf32, #tpu.memory_space<vmem>>, vector<1x128xf32>
    %add3A_76 = vector.broadcast %get3A_75 : vector<1x128xf32> to vector<5000x128xf32>
    %add3A_77 = arith.addf %mul3A_72, %add3A_76 : vector<5000x128xf32>
    %add3A_78 = arith.addf %get3A_1, %add3A_77 : vector<5000x128xf32>
    %swap3A = arith.constant 0 : index
    %swap3A_79 = arith.constant 0 : index
    %swap3A_80 = vector.load %arg12[%swap3A, %swap3A_79] : memref<5000x128xf32, #tpu.memory_space<vmem>>, vector<5000x128xf32>
    tpu.vector_store %arg12[%swap3A, %swap3A_79], %add3A_78 {strides = array<i32>} : memref<5000x128xf32, #tpu.memory_space<vmem>>, vector<5000x128xf32>,
    return
  }
  func.func @transform_0(%arg0: i32) -> (i32, i32) {
    %c0_i32 = arith.constant 0 : i32
    %c0_i32_0 = arith.constant 0 : i32
    return %arg0, %c0_i32 : i32, i32
  }
  func.func @transform_1(%arg0: i32) -> (i32, i32, i32) {
    %c0_i32 = arith.constant 0 : i32
    %c0_i32_0 = arith.constant 0 : i32
    %c0_i32_1 = arith.constant 0 : i32
    return %c0_i32, %arg0, %c0_i32_0 : i32, i32, i32
  }
  func.func @transform_2(%arg0: i32) -> (i32, i32) {
    %c0_i32 = arith.constant 0 : i32
    %c0_i32_0 = arith.constant 0 : i32
    %c0_i32_1 = arith.constant 0 : i32
    return %c0_i32, %c0_i32_0 : i32, i32
  }
  func.func @transform_3(%arg0: i32) -> (i32, i32) {
    %c0_i32 = arith.constant 0 : i32
    %c0_i32_0 = arith.constant 0 : i32
    %c0_i32_1 = arith.constant 0 : i32
    return %c0_i32, %c0_i32_0 : i32, i32
  }
  func.func @transform_4(%arg0: i32) -> (i32, i32) {
    %c0_i32 = arith.constant 0 : i32
    %c0_i32_0 = arith.constant 0 : i32
    %c0_i32_1 = arith.constant 0 : i32
    return %c0_i32, %c0_i32_0 : i32, i32
  }
  func.func @transform_5(%arg0: i32) -> (i32, i32) {
    %c0_i32 = arith.constant 0 : i32
    %c0_i32_0 = arith.constant 0 : i32
    %c0_i32_1 = arith.constant 0 : i32
    return %c0_i32, %c0_i32_0 : i32, i32
  }
  func.func @transform_6(%arg0: i32) -> (i32, i32) {
    %c0_i32 = arith.constant 0 : i32
    %c0_i32_0 = arith.constant 0 : i32
    %c0_i32_1 = arith.constant 0 : i32
    return %c0_i32, %c0_i32_0 : i32, i32
  }
  func.func @transform_7(%arg0: i32) -> (i32, i32) {
    %c0_i32 = arith.constant 0 : i32
    %c0_i32_0 = arith.constant 0 : i32
    %c0_i32_1 = arith.constant 0 : i32
    return %c0_i32, %c0_i32_0 : i32, i32
  }
  func.func @transform_8(%arg0: i32) -> (i32, i32) {
    %c0_i32 = arith.constant 0 : i32
    %c0_i32_0 = arith.constant 0 : i32
    %c0_i32_1 = arith.constant 0 : i32
    return %c0_i32, %c0_i32_0 : i32, i32
  }
  func.func @transform_9(%arg0: i32) -> (i32, i32) {
    %c0_i32 = arith.constant 0 : i32
    %c0_i32_0 = arith.constant 0 : i32
    %c0_i32_1 = arith.constant 0 : i32
    return %c0_i32, %c0_i32_0 : i32, i32
  }
  func.func @transform_10(%arg0: i32) -> (i32, i32) {
    %c0_i32 = arith.constant 0 : i32
    %c0_i32_0 = arith.constant 0 : i32
    %c0_i32_1 = arith.constant 0 : i32
    return %c0_i32, %c0_i32_0 : i32, i32
  }
  func.func @transform_11(%arg0: i32) -> (i32, i32) {
    %c0_i32 = arith.constant 0 : i32
    %c0_i32_0 = arith.constant 0 : i32
    return %arg0, %c0_i32 : i32, i32
  }
}

</mosaic_0001>

<sc_bundles>
// kernel: kernel.4.cloned.1.call-start
scs
__scs_entry_jumppad:
0x0: {  	(pc) =	sbr.rel $0x88, $3  }
0x1: {  	(tag) =	ssettag $0x0;
	lr =	simm.s32 $0x1  }
0x2: {  	[smem:$0x3F96] =	sst lr;
	_ =	strace $0xD0000000  }
0x3: {  	_ = 	snop  }
0x4: {  	_ = 	snop  }
0x5: {  	_ = 	snop  }
0x6: {  	_ = 	snop  }
0x7: {  	_ = 	snop  }
__scs_overlays_trampoline_lowered:
0x8: {  	[smem:$0x3FA5] =	sst s0  }
0x9: {  	[smem:$0x3FA6] =	sst s1  }
0xa: {  	[smem:$0x3FA7] =	sst s2  }
0xb: {  	[smem:$0x3FA8] =	sst s3  }
0xc: {  	[smem:$0x3FA9] =	sst s4  }
0xd: {  	[smem:$0x3FAA] =	sst s5  }
0xe: {  	[smem:$0x3FAB] =	sst s6  }
0xf: {  	[smem:$0x3FAC] =	sst s7  }
0x10: {  	[smem:$0x3FAD] =	sst s8  }
0x11: {  	[smem:$0x3FAE] =	sst s9;
	s0 =	simm.s32 @!p0 $0x0  }
0x12: {  	s1 =	sld [smem:$0x3F94];
	s0 =	simm.s32 @p0 $0x1  }
0x13: {  	[smem:$0x3FAF] =	sst s0;
	s0 =	simm.s32 @!p1 $0x0  }
0x14: {  	s2 =	sld [smem:$0x3F93];
	s0 =	simm.s32 @p1 $0x1  }
0x15: {  	[smem:$0x3FB0] =	sst s0;
	s0 =	simm.s32 @!p2 $0x0  }
0x16: {  	s3 =	sld [smem:$0x3FDB];
	s0 =	simm.s32 @p2 $0x1  }
0x17: {  	s4 =	simm.s32 $0x1BF5;
	[smem:$0x3FB2] =	sst s0  }
0x18: {  	s0 =	sld [smem:$0x3F95];
	_ =	swait.ge [sflag:s4], $0x0  }
0x19: {  	s7 =	sld [smem:$0x3F96]  }
0x1a: {  	s8 =	sadd.s32 $0xFFFFE003, lr  }
0x1b: {  	s9 =	sadd.s32 $0xFFFFFEF7, lr;
	s5 =	simm.s32 $0xFFFFFFFF;
	p2 =	slt.u32 s8, $0xFFFFF086  }
0x1c: {  	p1 =	slt.u32 s9, $0xF7A;
	s5 =	simm.s32 @!p2 $0x0  }
0x1d: {  	s5 =	simm.s32 @p1 $0x1;
	p0 =	seq.s32 s7, s2  }
0x1e: {  	s7 =	smul.u32 @!p0 $0xF7A, s2;
	p2 =	seq.s32 @!p0 s5, $0x0  }
0x1f: {  	s9 =	smul.u32 $0xF7A, s1;
	s8 =	simm.s32 @!p0 $0x1BF5;
	p2 =	por !p2, p0  }
0x20: {  	[sflag:s8] =	ssyncset.s32 @!p0 $0xFFFFF086;
	s6 =	sadd.s32 @!p0 s3, s7;
	s7 =	simm.s32 @!p0 $0x108  }
0x21: {  	s3 =	sadd.s32 s3, s9;
	s6 =	sadd.s32 @!p0 $0x88, s6;
	s7 =	simm.s32 @p2 $0x1082  }
0x22: {  	[simem:s7], [sflag:s8] =	dma.local @!p0 [hbm:s6], $0xF7A  }
0x23: {  	s9 =	sor.u32 $0xD0000000, s2;
	s6 =	simm.s32 $0x108;
	_ =	swait.ge @!p0 [sflag:s8], $0x0  }
0x24: {  	s3 =	sadd.s32 $0x88, s3;
	s6 =	simm.s32 @!p1 $0x1082;
	[sflag:s4] =	ssyncset.s32 $0xFFFFF086  }
0x25: {  	[simem:s6], [sflag:s4] =	dma.local [hbm:s3], $0xF7A  }
0x26: {  	[smem:$0x3F96] =	sst s1;
	(tag) =	ssettag s2;
	_ =	strace s9  }
0x27: {  	s1 =	sld [smem:$0x3FA6]  }
0x28: {  	s2 =	sld [smem:$0x3FA7]  }
0x29: {  	s4 =	sld [smem:$0x3FA9]  }
0x2a: {  	p0 =	seq.s32 s5, $0x0;
	s5 =	sld [smem:$0x3FAA]  }
0x2b: {  	s6 =	sld [smem:$0x3FAB]  }
0x2c: {  	s7 =	sld [smem:$0x3FAC]  }
0x2d: {  	s3 =	simm.s32 $0x108;
	s8 =	sld [smem:$0x3FAD]  }
0x2e: {  	s3 =	simm.s32 @!p0 $0x1082;
	s9 =	sld [smem:$0x3FAE]  }
0x2f: {  	lr =	sadd.s32 s0, s3;
	s0 =	sld [smem:$0x3FA5]  }
0x30: {  	s3 =	sld [smem:$0x3FA8]  }
0x31: {  	[smem:$0x3FB1] =	sst s10  }
0x32: {  	s10 =	sld [smem:$0x3FAF];
	_ =	sdelay $0x3  }
0x33: {  	p0 =	seq.s32 s10, $0x1;
	s10 =	sld [smem:$0x3FB1];
	_ =	sdelay $0x3  }
0x34: {  	[smem:$0x3FB1] =	sst s10  }
0x35: {  	s10 =	sld [smem:$0x3FB0];
	_ =	sdelay $0x3  }
0x36: {  	p1 =	seq.s32 s10, $0x1;
	s10 =	sld [smem:$0x3FB1];
	_ =	sdelay $0x3  }
0x37: {  	[smem:$0x3FB1] =	sst s10  }
0x38: {  	s10 =	sld [smem:$0x3FB2]  }
0x39: {  	_ = 	snop;
	(pc) =	sbr.ind lr, $3  }
0x3a: {  	_ = 	snop  }
0x3b: {  	_ = 	snop  }
0x3c: {  	p2 =	seq.s32 s10, $0x1;
	s10 =	sld [smem:$0x3FB1]  }
0x3d: {  	_ =	shalt  }
0x3e: {  	_ =	shalt  }
0x3f: {  	_ =	shalt  }
0x40: {  	_ =	shalt  }
0x41: {  	_ =	shalt  }
0x42: {  	_ =	shalt  }
0x43: {  	_ =	shalt  }
0x44: {  	_ =	shalt  }
0x45: {  	_ =	shalt  }
0x46: {  	_ =	shalt  }
0x47: {  	_ =	shalt  }
0x48: {  	_ =	shalt  }
0x49: {  	_ =	shalt  }
0x4a: {  	_ =	shalt  }
0x4b: {  	_ =	shalt  }
0x4c: {  	_ =	shalt  }
0x4d: {  	_ =	shalt  }
0x4e: {  	_ =	shalt  }
0x4f: {  	_ =	shalt  }
0x50: {  	_ =	shalt  }
0x51: {  	_ =	shalt  }
0x52: {  	_ =	shalt  }
0x53: {  	_ =	shalt  }
0x54: {  	_ =	shalt  }
0x55: {  	_ =	shalt  }
0x56: {  	_ =	shalt  }
0x57: {  	_ =	shalt  }
0x58: {  	_ =	shalt  }
0x59: {  	_ =	shalt  }
0x5a: {  	_ =	shalt  }
0x5b: {  	_ =	shalt  }
0x5c: {  	_ =	shalt  }
0x5d: {  	_ =	shalt  }
0x5e: {  	_ =	shalt  }
0x5f: {  	_ =	shalt  }
0x60: {  	_ =	shalt  }
0x61: {  	_ =	shalt  }
0x62: {  	_ =	shalt  }
0x63: {  	_ =	shalt  }
0x64: {  	_ =	shalt  }
0x65: {  	_ =	shalt  }
0x66: {  	_ =	shalt  }
0x67: {  	_ =	shalt  }
0x68: {  	_ =	shalt  }
0x69: {  	_ =	shalt  }
0x6a: {  	_ =	shalt  }
0x6b: {  	_ =	shalt  }
0x6c: {  	_ =	shalt  }
0x6d: {  	_ =	shalt  }
0x6e: {  	_ =	shalt  }
0x6f: {  	_ =	shalt  }
0x70: {  	_ =	shalt  }
0x71: {  	_ =	shalt  }
0x72: {  	_ =	shalt  }
0x73: {  	_ =	shalt  }
0x74: {  	_ =	shalt  }
0x75: {  	_ =	shalt  }
0x76: {  	_ =	shalt  }
0x77: {  	_ =	shalt  }
0x78: {  	_ =	shalt  }
0x79: {  	_ =	shalt  }
0x7a: {  	_ =	shalt  }
0x7b: {  	_ =	shalt  }
0x7c: {  	_ =	shalt  }
0x7d: {  	_ =	shalt  }
0x7e: {  	_ =	shalt  }
0x7f: {  	_ =	shalt  }
0x80: {  	_ =	shalt  }
0x81: {  	_ =	shalt  }
0x82: {  	_ =	shalt  }
0x83: {  	_ =	shalt  }
0x84: {  	_ =	shalt  }
0x85: {  	_ =	shalt  }
0x86: {  	_ =	shalt  }
0x87: {  	_ =	shalt  }
.Lfunc_end0:
.L_simem_size_0:
called_computation_lowered:
.L_overlay_start_0:
0x88: {  	s2 =	sld [smem:$0x3FD9]  }
0x89: {  	s3 =	sld [smem:$0x3FFE];
	_ =	sdelay $0x1  }
0x8a: {  	s1 =	srdreg.scid  }
0x8b: {  	s0 =	sand.u32 $0x1, s1  }
0x8c: {  	s17 =	sshll.u32 s0, $0xA;
	s2 =	sadd.s32 s3, s2  }
0x8d: {  	s2 =	sadd.s32 s2, s17  }
0x8e: {  	[smem:$0x3FBD] =	sst s2  }
0x8f: {  	_ = 	snop  }
0x90: {  	s2 =	sld [smem:$0x3FC7]  }
0x91: {  	s18 =	sld [smem:$0x3FD0];
	(tm) =	ssettm $0x1  }
0x92: {  	s4 =	sld [smem:$0x3FFB];
	_ =	sdelay $0x3  }
0x93: {  	_ =	strace s4  }
0x94: {  	s4 =	sld [smem:$0x3FFC];
	_ =	sdelay $0x3  }
0x95: {  	_ =	strace s4  }
0x96: {  	s4 =	sld [smem:$0x3FFD];
	_ =	sdelay $0x3  }
0x97: {  	_ =	strace s4  }
0x98: {  	_ =	strace $0x8FFFFFFF  }
0x99: {  	s19 =	sld [smem:$0x3FDB];
	_ =	sdelay $0x1  }
0x9a: {  	s5 =	simm.s32 $_scs_section_size  }
0x9b: {  	s6 =	simm.s32 $_size__tile_overlayer_lowered;
	s7 =	simm.s32 $_tile_overlayer_lowered  }
0x9c: {  	s22 =	simm.s32 $0x1BFF;
	s21 =	sshll.u32 s7, $0x1;
	s4 =	sadd.s32 s5, s19  }
0x9d: {  	s8 =	simm.s32 $0x0;
	s20 =	sshll.u32 s6, $0x1;
	s6 =	sadd.s32 s21, s4  }
0x9e: {  	[timem:s8], [sflag:s22] =	dma.local [hbm:s6], s20  }
0x9f: {  	_ =	swait.ge [sflag:s22], s20  }
0xa0: {  	s5 =	ssub.s32 $0x0, s20;
	[sflag:s22] =	ssyncset.done $0x0  }
0xa1: {  	[sflag:s22] =	ssyncadd.s32 s5;
	_ =	sdelay $0x1  }
0xa2: {  	s23 =	simm.s32 $0x1B8B  }
0xa3: {  	_ =	swait.ge [sflag:s23], $0x1  }
0xa4: {  	[sflag:s23] =	ssyncset.done $0x0  }
0xa5: {  	s25 =	simm.s32 $0x1B8E;
	s24 =	sld [smem:$0x3FFE];
	[sflag:s23] =	ssyncadd.s32 $0xFFFFFFFF  }
0xa6: {  	s26 =	simm.s32 $execute0_lowered;
	[smem:$0x3FD2] =	sst s25  }
0xa7: {  	s6 =	sshll.u32 s26, $0x1;
	_ =	strace $0x80000046;
	[dreg:$0x1] =	wrdreg $0xFFFFFFFF  }
0xa8: {  	s28 =	simm.s32 $_size_execute0_lowered;
	s4 =	sadd.s32 s4, s6;
	[dreg:$0x0] =	wrdreg $0x0  }
0xa9: {  	s6 =	sshll.u32 s28, $0x1;
	[dreg:$0x2] =	wrdreg s4  }
0xaa: {  	[dreg:$0x3] =	wrdreg s6  }
0xab: {  	[dreg:$0x4] =	wrdreg $0xC0  }
0xac: {  	_ =	task [dreg:s8], $0x5FFFF  }
0xad: {  	[dreg:$0x1] =	wrdreg $0xFFFFFFFF  }
0xae: {  	[dreg:$0x0] =	wrdreg $0x60  }
0xaf: {  	[dreg:$0x2] =	wrdreg s18  }
0xb0: {  	[dreg:$0x3] =	wrdreg s2  }
0xb1: {  	[dreg:$0x4] =	wrdreg s24  }
0xb2: {  	[dreg:$0x5] =	wrdreg $0xB8000  }
0xb3: {  	[dreg:$0x6] =	wrdreg $0x9  }
0xb4: {  	_ =	task.clear_ibuf [dreg:s8], $0x7FFFF;
	_ =	strace $0x90000046  }
0xb5: {  	s29 =	simm.s32 $0x9;
	_ =	strace $0x80000048  }
0xb6: {  	_ =	swait.ge [sflag:s29], $0x1  }
0xb7: {  	[sflag:s29] =	ssyncadd.s32 $0xFFFFFFFF  }
0xb8: {  	_ =	strace $0x90000048  }
0xb9: {  	_ =	sfence  }
0xba: {  	s30 =	sld [smem:$0x0];
	_ =	sdelay $0x2  }
0xbb: {  	s31 =	sshll.u32 s1, $0xD;
	s1 =	sshrl.u32 s1, $0x2  }
0xbc: {  	s3 =	sand.u32 $0x4000, s31;
	s1 =	sadd.s32 s1, s30  }
0xbd: {  	s0 =	sor.u32 s3, s0;
	s1 =	sshll.u32 s1, $0x11  }
0xbe: {  	s0 =	sor.u32 s1, s0  }
0xbf: {  	s0 =	sadd.s32 $0x8F2B, s0  }
0xc0: {  	[sflag:s0] =	ssyncadd.remote.s32 $0x1  }
0xc1: {  	_ =	sfence.sel $0xFFFF  }
0xc2: {  	[dreg:$0x0] =	wrdreg $0xFFFFFFFF;
	(pc) =	sbr.abs _section_cstart, $3  }
0xc3: {  	[dreg:$0x1] =	wrdreg $0xFFFFFFFF  }
0xc4: {  	_ =	task.clear_ibuf [dreg:s8], $0x2FFFF;
	_ =	strace $0x9FFFFFFF  }
0xc5: {  	(tm) =	ssettm $0x7FFFFFFF  }
tec
execute0_lowered:
.L_overlay_start_1:
0x0: {  	(tag) =	ssettag $0x1  }
0x1: {  	s0 =	rddreg [dreg:$0x0]  }
0x2: {  	s1 =	rddreg [dreg:$0x1]  }
0x3: {  	s4 =	rddreg [dreg:$0x2];
	s18 =	stileid.u32  }
0x4: {  	s3 =	srdreg.scid;
	s9 =	smul.u32 $0x14000, s18  }
0x5: {  	s2 =	rddreg [dreg:$0x3];
	s30 =	simm.s32 $0x6800;
	s21 =	smul.u32 $0x4E200, s18  }
0x6: {  	s31 =	simm.s32 $0x9000;
	s5 =	sand.u32 $0x1, s3;
	s22 =	smul.u32 $0x50000, s18  }
0x7: {  	s6 =	sshll.u32 s18, $0x1;
	s3 =	simm.s32 $0x0;
	s12 =	smul.u32 $0x140000, s5  }
0x8: {  	s6 =	sor.u32 s5, s6;
	s8 =	ssub.s32 $0x2, s5;
	s5 =	smul.u32 $0x27100, s5  }
0x9: {  	s4 =	sadd.s32 $0x1600, s4;
	[smem:$0x7FF] =	sst s3;
	s7 =	smul.u32 $0x138800, s6  }
0xa: {  	s10 =	sshrl.u32 s8, $0x1;
	s11 =	sshll.u32 s6, $0xB;
	s6 =	smul.u32 $0x27100, s6  }
0xb: {  	s13 =	sadd.s32 $0x7800, s9;
	s15 =	sadd.s32 $0xA000, s9;
	s8 =	ssub.s32 s8, s10  }
0xc: {  	s0 =	sadd.s32 s0, s11;
	s23 =	sadd.s32 s9, s12;
	s14 =	sadd.s32 s12, s13  }
0xd: {  	s16 =	sadd.s32 s12, s15;
	[dreg:$0x5] =	wrdreg s0;
	s0 =	sor.u32 $0x2800, s9  }
0xe: {  	s7 =	sshrl.u32 s7, $0x3;
	s10 =	sshrl.u32 s23, $0x3;
	s14 =	sshrl.u32 s14, $0x3  }
0xf: {  	s16 =	sshrl.u32 s16, $0x3;
	s6 =	sadd.s32 s1, s6;
	s28 =	smax.u32 s8, $0x1  }
0x10: {  	s8 =	simm.s32 $0x4;
	s24 =	sadd.s32 s12, s0;
	s10 =	sadd.s32 s4, s10  }
0x11: {  	s17 =	sadd.s32 s4, s16;
	s16 =	sadd.s32 $0xF000, s9;
	s7 =	sadd.s32 s1, s7  }
0x12: {  	s1 =	sadd.s32 s21, s1;
	s11 =	sshrl.u32 s24, $0x3;
	[dreg:$0x6] =	wrdreg s10  }
0x13: {  	s10 =	sadd.s32 $0x5000, s9;
	[dreg:$0xa] =	wrdreg s17;
	s17 =	sadd.s32 s12, s16  }
0x14: {  	s23 =	sadd.s32 $0x500, s7;
	s24 =	sadd.s32 $0xA00, s7;
	s18 =	sadd.s32 $0x1400, s7  }
0x15: {  	s25 =	sadd.s32 s4, s11;
	s26 =	sadd.s32 s12, s10;
	s20 =	sshrl.u32 s17, $0x3  }
0x16: {  	s21 =	sadd.s32 s10, s2;
	s10 =	simm.s32 $0x5;
	s11 =	sshrl.u32 s26, $0x3  }
0x17: {  	[dreg:$0x7] =	wrdreg s25;
	s25 =	sadd.s32 $0xF00, s7;
	s11 =	sadd.s32 s4, s11  }
0x18: {  	s26 =	sshrl.u32 s22, $0x2;
	[dreg:$0x8] =	wrdreg s11;
	s11 =	sadd.s32 s4, s14  }
0x19: {  	[dreg:$0x9] =	wrdreg s11;
	s11 =	sadd.s32 $0xC800, s9;
	s9 =	sadd.s32 $0x11800, s9  }
0x1a: {  	s22 =	sadd.s32 s13, s2;
	s19 =	sadd.s32 s12, s11;
	s12 =	sadd.s32 s12, s9  }
0x1b: {  	s7 =	simm.s32 $0x2;
	s14 =	sshrl.u32 s19, $0x3;
	s12 =	sshrl.u32 s12, $0x3  }
0x1c: {  	s19 =	sadd.s32 s26, s2;
	s26 =	sadd.s32 s9, s2;
	s14 =	sadd.s32 s4, s14  }
0x1d: {  	s9 =	simm.s32 $0x3;
	[dreg:$0xb] =	wrdreg s14;
	s14 =	sadd.s32 s4, s20  }
0x1e: {  	s29 =	sadd.s32 $0x2800, s19;
	s4 =	sadd.s32 s4, s12;
	[dreg:$0xc] =	wrdreg s14  }
0x1f: {  	s20 =	sadd.s32 s0, s2;
	s0 =	simm.s32 $0x7;
	[dreg:$0xd] =	wrdreg s4  }
0x20: {  	s12 =	simm.s32 $0x0;
	_ =	strace $0x80000047;
	[dreg:$0xe] =	wrdreg s6  }
0x21: {  	s14 =	sadd.s32 s5, s1;
	s1 =	simm.s32 $0x4000;
	[dreg:$0xf] =	wrdreg s23  }
0x22: {  	s4 =	simm.s32 $0x8;
	s5 =	simm.s32 $0x1;
	[dreg:$0x10] =	wrdreg s24  }
0x23: {  	[dreg:$0x11] =	wrdreg s25;
	s23 =	sadd.s32 s15, s2;
	s24 =	sadd.s32 s11, s2  }
0x24: {  	v0 =	vimm.f32 $0.0e+00;
	s25 =	sadd.s32 s16, s2;
	s6 =	simm.s32 $0x50;
	s11 =	simm.s32 $0x6  }
.LBB2_1:
0x25: {  	s13 =	rddreg [dreg:$0x5]  }
0x26: {  	[tilespmem:s3], [sflag:$0x8] =	stream.linear.gather [hbm4b:s13+s3], $0x3E80, $0x38;
	[tilespmem:$0x1F800] =	vst v63  }
0x27: {  	s15 =	rddreg [dreg:$0xf]  }
0x28: {  	[tilespmem:s30], [sflag:$0x2] =	stream.linear.gather [hbm4b:s15+s3], $0x2800, $0x38;
	[tilespmem:$0x1F800] =	vst v63  }
0x29: {  	s16 =	rddreg [dreg:$0x10];
	s17 =	sand.u32 $0xFE00, s3  }
0x2a: {  	[tilespmem:s31], [sflag:$0x3] =	stream.linear.gather [hbm4b:s16+s3], $0x2800, $0x38;
	[tilespmem:$0x1F800] =	vst v63  }
0x2b: {  	s15 =	sand.u32 $0x70, s3;
	s16 =	sshrl.u32 s17, $0x2  }
0x2c: {  	s13 =	simm.s32 $0x40;
	s16 =	sor.u32 s15, s16;
	s15 =	simm.s32 $0x0  }
.LBB2_2:
0x2d: {  	p0 =	sne.s32 s13, $0x9FC0  }
0x2e: {  	[tilespmem:s16+$0x4000] =	vst v0;
	s15 =	sadd.s32 $0x10, s15;
	s16 =	smov.u32 s13;
	s13 =	sadd.s32 $0x40, s13  }
.Ltmp0:
0x2f: {  	(pc) =	sbr.rel @p0 .LBB2_2-.Ltmp0, $4  }
0x30: {  	_ = 	snop  }
0x31: {  	s16 =	sand.u32 $0xFE00, s16  }
0x32: {  	s17 =	sand.u32 $0x70, s15;
	s16 =	sshrl.u32 s16, $0x2  }
0x33: {  	s16 =	sor.u32 s17, s16  }
0x34: {  	[tilespmem:s16+$0x4000] =	vst v0  }
0x35: {  	[spmem:s19] =	stream.linear.scatter [tilespmem:s1], [sflag:$0x7], $0x2800, $0x38;
	[tilespmem:$0x1F800] =	vst v63  }
0x36: {  	_ = 	snop  }
0x37: {  	[spmem:s29] =	stream.linear.scatter [tilespmem:s1], [sflag:$0x7], $0x2800, $0x38;
	[tilespmem:$0x1F800] =	vst v63  }
0x38: {  	_ = 	snop  }
0x39: {  	[spmem:s21] =	stream.linear.scatter [tilespmem:s1], [sflag:$0x7], $0x2800, $0x38;
	[tilespmem:$0x1F800] =	vst v63  }
0x3a: {  	_ = 	snop  }
0x3b: {  	[spmem:s22] =	stream.linear.scatter [tilespmem:s1], [sflag:$0x7], $0x2800, $0x38;
	[tilespmem:$0x1F800] =	vst v63  }
0x3c: {  	_ = 	snop  }
0x3d: {  	[spmem:s23] =	stream.linear.scatter [tilespmem:s1], [sflag:$0x7], $0x2800, $0x38;
	[tilespmem:$0x1F800] =	vst v63  }
0x3e: {  	_ = 	snop  }
0x3f: {  	[spmem:s24] =	stream.linear.scatter [tilespmem:s1], [sflag:$0x7], $0x2800, $0x38;
	[tilespmem:$0x1F800] =	vst v63  }
0x40: {  	_ = 	snop  }
0x41: {  	[spmem:s25] =	stream.linear.scatter [tilespmem:s1], [sflag:$0x7], $0x2800, $0x38;
	[tilespmem:$0x1F800] =	vst v63  }
0x42: {  	_ = 	snop  }
0x43: {  	[spmem:s26] =	stream.linear.scatter [tilespmem:s1], [sflag:$0x7], $0x2800, $0x38;
	[tilespmem:$0x1F800] =	vst v63  }
0x44: {  	_ =	swait.ge [sflag:s0], $0x2800  }
0x45: {  	[sflag:s0] =	ssyncset.done $0x0  }
0x46: {  	[sflag:s0] =	ssyncadd.s32 $0xFFFFD800  }
0x47: {  	_ =	swait.ge [sflag:s0], $0x2800  }
0x48: {  	[sflag:s0] =	ssyncset.done $0x0  }
0x49: {  	[sflag:s0] =	ssyncadd.s32 $0xFFFFD800  }
0x4a: {  	_ =	swait.ge [sflag:s0], $0x2800  }
0x4b: {  	[sflag:s0] =	ssyncset.done $0x0  }
0x4c: {  	[sflag:s0] =	ssyncadd.s32 $0xFFFFD800  }
0x4d: {  	_ =	swait.ge [sflag:s0], $0x2800  }
0x4e: {  	[sflag:s0] =	ssyncset.done $0x0  }
0x4f: {  	[sflag:s0] =	ssyncadd.s32 $0xFFFFD800  }
0x50: {  	_ =	swait.ge [sflag:s0], $0x2800  }
0x51: {  	[sflag:s0] =	ssyncset.done $0x0  }
0x52: {  	[sflag:s0] =	ssyncadd.s32 $0xFFFFD800  }
0x53: {  	_ =	swait.ge [sflag:s0], $0x2800  }
0x54: {  	[sflag:s0] =	ssyncset.done $0x0  }
0x55: {  	[sflag:s0] =	ssyncadd.s32 $0xFFFFD800  }
0x56: {  	_ =	swait.ge [sflag:s0], $0x2800  }
0x57: {  	[sflag:s0] =	ssyncset.done $0x0  }
0x58: {  	[sflag:s0] =	ssyncadd.s32 $0xFFFFD800  }
0x59: {  	_ =	swait.ge [sflag:s0], $0x2800  }
0x5a: {  	[sflag:s0] =	ssyncset.done $0x0  }
0x5b: {  	s13 =	simm.s32 $0x0;
	s15 =	rddreg [dreg:$0xe];
	[sflag:s0] =	ssyncadd.s32 $0xFFFFD800  }
0x5c: {  	[tilespmem:s1], [sflag:$0x1] =	stream.linear.gather [hbm4b:s15+s13], $0x2800, $0x38;
	[tilespmem:$0x1F800] =	vst v63  }
0x5d: {  	_ =	swait.ge [sflag:s4], $0x3E80  }
0x5e: {  	[sflag:s4] =	ssyncset.done $0x0  }
0x5f: {  	[sflag:s4] =	ssyncadd.s32 $0xFFFFC180  }
0x60: {  	[bflag:$0x0] =	sbarrier.arrive $0xFFFF  }
0x61: {  	_ =	swait.ge [sflag:s5], $0x2800  }
0x62: {  	[sflag:s5] =	ssyncset.done $0x0  }
0x63: {  	[sflag:s5] =	ssyncadd.s32 $0xFFFFD800  }
0x64: {  	[spmem:s2] =	stream.indirect.scatter.add.f32 [tilespmem:s1], [sflag:$0x4], $0x80, s13, s6, $0xb8;
	[tilespmem:$0x1F800] =	vst v63  }
0x65: {  	_ =	swait.ge [sflag:s7], $0x2800  }
0x66: {  	[sflag:s7] =	ssyncset.done $0x0  }
0x67: {  	s17 =	simm.s32 $0x80;
	[sflag:s7] =	ssyncadd.s32 $0xFFFFD800  }
0x68: {  	[spmem:s2] =	stream.indirect.scatter.add.f32 [tilespmem:s30], [sflag:$0x5], $0x80, s17, s6, $0xb8;
	[tilespmem:$0x1F800] =	vst v63  }
0x69: {  	_ =	swait.ge [sflag:s8], $0x2800  }
0x6a: {  	[sflag:s8] =	ssyncset.done $0x0  }
0x6b: {  	s16 =	rddreg [dreg:$0x11];
	[sflag:s8] =	ssyncadd.s32 $0xFFFFD800  }
0x6c: {  	[tilespmem:s1], [sflag:$0x1] =	stream.linear.gather [hbm4b:s16+s13], $0x2800, $0x38;
	[tilespmem:$0x1F800] =	vst v63  }
0x6d: {  	_ =	swait.ge [sflag:s9], $0x2800  }
0x6e: {  	[sflag:s9] =	ssyncset.done $0x0  }
0x6f: {  	s17 =	simm.s32 $0x100;
	[sflag:s9] =	ssyncadd.s32 $0xFFFFD800  }
0x70: {  	[spmem:s2] =	stream.indirect.scatter.add.f32 [tilespmem:s31], [sflag:$0x6], $0x80, s17, s6, $0xb8;
	[tilespmem:$0x1F800] =	vst v63  }
0x71: {  	_ =	swait.ge [sflag:s10], $0x2800  }
0x72: {  	[sflag:s10] =	ssyncset.done $0x0  }
0x73: {  	[sflag:s10] =	ssyncadd.s32 $0xFFFFD800  }
0x74: {  	[tilespmem:s30], [sflag:$0x2] =	stream.linear.gather [hbm4b:s18+s13], $0x2800, $0x38;
	[tilespmem:$0x1F800] =	vst v63  }
0x75: {  	_ =	swait.ge [sflag:s5], $0x2800  }
0x76: {  	[sflag:s5] =	ssyncset.done $0x0  }
0x77: {  	s15 =	simm.s32 $0x180;
	[sflag:s5] =	ssyncadd.s32 $0xFFFFD800  }
0x78: {  	[spmem:s2] =	stream.indirect.scatter.add.f32 [tilespmem:s1], [sflag:$0x4], $0x80, s15, s6, $0xb8;
	[tilespmem:$0x1F800] =	vst v63  }
0x79: {  	_ =	swait.ge [sflag:s11], $0x2800  }
0x7a: {  	s15 =	sadd.s32 $0x0, s14;
	[sflag:s11] =	ssyncset.done $0x0  }
0x7b: {  	s16 =	sadd.s32 $0x1900, s15;
	[sflag:s11] =	ssyncadd.s32 $0xFFFFD800  }
0x7c: {  	[tilespmem:s31], [sflag:$0x3] =	stream.linear.gather [hbm4b:s16+s3], $0x2800, $0x38;
	[tilespmem:$0x1F800] =	vst v63  }
0x7d: {  	_ =	swait.ge [sflag:s7], $0x2800  }
0x7e: {  	[sflag:s7] =	ssyncset.done $0x0  }
0x7f: {  	s17 =	simm.s32 $0x200;
	[sflag:s7] =	ssyncadd.s32 $0xFFFFD800  }
0x80: {  	[spmem:s2] =	stream.indirect.scatter.add.f32 [tilespmem:s30], [sflag:$0x5], $0x80, s17, s6, $0xb8;
	[tilespmem:$0x1F800] =	vst v63  }
0x81: {  	_ =	swait.ge [sflag:s8], $0x2800  }
0x82: {  	[sflag:s8] =	ssyncset.done $0x0  }
0x83: {  	s16 =	sadd.s32 $0x1E00, s15;
	[sflag:s8] =	ssyncadd.s32 $0xFFFFD800  }
0x84: {  	[tilespmem:s1], [sflag:$0x1] =	stream.linear.gather [hbm4b:s16+s3], $0x2800, $0x38;
	[tilespmem:$0x1F800] =	vst v63  }
0x85: {  	_ =	swait.ge [sflag:s9], $0x2800  }
0x86: {  	[sflag:s9] =	ssyncset.done $0x0  }
0x87: {  	s17 =	simm.s32 $0x280;
	[sflag:s9] =	ssyncadd.s32 $0xFFFFD800  }
0x88: {  	[spmem:s2] =	stream.indirect.scatter.add.f32 [tilespmem:s31], [sflag:$0x6], $0x80, s17, s6, $0xb8;
	[tilespmem:$0x1F800] =	vst v63  }
0x89: {  	_ =	swait.ge [sflag:s10], $0x2800  }
0x8a: {  	s13 =	simm.s32 $0xF00;
	[sflag:s10] =	ssyncset.done $0x0  }
0x8b: {  	s16 =	sadd.s32 $0x2300, s15;
	s15 =	simm.s32 $0x400;
	[sflag:s10] =	ssyncadd.s32 $0xFFFFD800  }
.LBB2_4:
0x8c: {  	[tilespmem:s30], [sflag:$0x2] =	stream.linear.gather [hbm4b:s16+s3], $0x2800, $0x38;
	[tilespmem:$0x1F800] =	vst v63  }
0x8d: {  	s16 =	smov.u32 s13  }
0x8e: {  	p0 =	sne.s32 s13, $0x24900;
	s13 =	sadd.s32 $0xF00, s13;
	_ =	swait.ge [sflag:s5], $0x2800  }
0x8f: {  	[sflag:s5] =	ssyncset.done $0x0  }
0x90: {  	s17 =	sadd.s32 $0xFFFFFF00, s15;
	[sflag:s5] =	ssyncadd.s32 $0xFFFFD800  }
0x91: {  	[spmem:s2] =	stream.indirect.scatter.add.f32 [tilespmem:s1], [sflag:$0x4], $0x80, s17, s6, $0xb8;
	[tilespmem:$0x1F800] =	vst v63  }
0x92: {  	_ =	swait.ge [sflag:s11], $0x2800  }
0x93: {  	s16 =	sadd.s32 s16, s14;
	[sflag:s11] =	ssyncset.done $0x0  }
0x94: {  	s17 =	sadd.s32 $0x1900, s16;
	[sflag:s11] =	ssyncadd.s32 $0xFFFFD800  }
0x95: {  	[tilespmem:s31], [sflag:$0x3] =	stream.linear.gather [hbm4b:s17+s3], $0x2800, $0x38;
	[tilespmem:$0x1F800] =	vst v63  }
0x96: {  	_ =	swait.ge [sflag:s7], $0x2800  }
0x97: {  	[sflag:s7] =	ssyncset.done $0x0  }
0x98: {  	s17 =	sadd.s32 $0xFFFFFF80, s15;
	[sflag:s7] =	ssyncadd.s32 $0xFFFFD800  }
0x99: {  	[spmem:s2] =	stream.indirect.scatter.add.f32 [tilespmem:s30], [sflag:$0x5], $0x80, s17, s6, $0xb8;
	[tilespmem:$0x1F800] =	vst v63  }
0x9a: {  	_ =	swait.ge [sflag:s8], $0x2800  }
0x9b: {  	[sflag:s8] =	ssyncset.done $0x0  }
0x9c: {  	s17 =	sadd.s32 $0x1E00, s16;
	[sflag:s8] =	ssyncadd.s32 $0xFFFFD800  }
0x9d: {  	[tilespmem:s1], [sflag:$0x1] =	stream.linear.gather [hbm4b:s17+s3], $0x2800, $0x38;
	[tilespmem:$0x1F800] =	vst v63  }
0x9e: {  	_ =	swait.ge [sflag:s9], $0x2800  }
0x9f: {  	[sflag:s9] =	ssyncset.done $0x0  }
.Ltmp1:
0xa0: {  	[sflag:s9] =	ssyncadd.s32 $0xFFFFD800;
	(pc) =	sbr.rel @p0 .LBB2_4-.Ltmp1, $4  }
0xa1: {  	[spmem:s2] =	stream.indirect.scatter.add.f32 [tilespmem:s31], [sflag:$0x6], $0x80, s15, s6, $0xb8;
	[tilespmem:$0x1F800] =	vst v63  }
0xa2: {  	_ =	swait.ge [sflag:s10], $0x2800  }
0xa3: {  	[sflag:s10] =	ssyncset.done $0x0  }
0xa4: {  	s16 =	sadd.s32 $0x2300, s16;
	s15 =	sadd.s32 $0x180, s15;
	[sflag:s10] =	ssyncadd.s32 $0xFFFFD800  }
0xa5: {  	[tilespmem:s30], [sflag:$0x2] =	stream.linear.gather [hbm4b:s16+s3], $0x2800, $0x38;
	[tilespmem:$0x1F800] =	vst v63  }
0xa6: {  	_ =	swait.ge [sflag:s5], $0x2800  }
0xa7: {  	[sflag:s5] =	ssyncset.done $0x0  }
0xa8: {  	s13 =	simm.s32 $0x3D80;
	[sflag:s5] =	ssyncadd.s32 $0xFFFFD800  }
0xa9: {  	[spmem:s2] =	stream.indirect.scatter.add.f32 [tilespmem:s1], [sflag:$0x4], $0x80, s13, s6, $0xb8;
	[tilespmem:$0x1F800] =	vst v63  }
0xaa: {  	_ =	swait.ge [sflag:s11], $0x2800  }
0xab: {  	[sflag:s11] =	ssyncset.done $0x0  }
0xac: {  	[sflag:s11] =	ssyncadd.s32 $0xFFFFD800  }
0xad: {  	_ =	swait.ge [sflag:s7], $0x2800  }
0xae: {  	[sflag:s7] =	ssyncset.done $0x0  }
0xaf: {  	s15 =	simm.s32 $0x3E00;
	[sflag:s7] =	ssyncadd.s32 $0xFFFFD800  }
0xb0: {  	[spmem:s2] =	stream.indirect.scatter.add.f32 [tilespmem:s30], [sflag:$0x5], $0x80, s15, s6, $0xb8;
	[tilespmem:$0x1F800] =	vst v63  }
0xb1: {  	_ =	swait.ge [sflag:s8], $0x2800  }
0xb2: {  	[sflag:s8] =	ssyncset.done $0x0  }
0xb3: {  	[sflag:s8] =	ssyncadd.s32 $0xFFFFD800  }
0xb4: {  	_ =	swait.ge [sflag:s10], $0x2800  }
0xb5: {  	[sflag:s10] =	ssyncset.done $0x0  }
0xb6: {  	[sflag:s10] =	ssyncadd.s32 $0xFFFFD800  }
0xb7: {  	[bflag:$0x0] =	sbarrier.arrive $0xFFFF  }
0xb8: {  	[tilespmem:s1], [sflag:$0x1] =	stream.linear.gather [spmem:s19], $0x2800, $0x38;
	[tilespmem:$0x1F800] =	vst v63  }
0xb9: {  	_ =	swait.ge [sflag:s5], $0x2800  }
0xba: {  	[sflag:s5] =	ssyncset.done $0x0  }
0xbb: {  	s16 =	rddreg [dreg:$0x6];
	[sflag:s5] =	ssyncadd.s32 $0xFFFFD800  }
0xbc: {  	[hbm4b:s16+s3] =	stream.linear.scatter [tilespmem:s1], [sflag:$0x4], $0x2800, $0x38;
	[tilespmem:$0x1F800] =	vst v63  }
0xbd: {  	_ = 	snop  }
0xbe: {  	[tilespmem:s30], [sflag:$0x2] =	stream.linear.gather [spmem:s20], $0x2800, $0x38;
	[tilespmem:$0x1F800] =	vst v63  }
0xbf: {  	_ =	swait.ge [sflag:s7], $0x2800  }
0xc0: {  	[sflag:s7] =	ssyncset.done $0x0  }
0xc1: {  	s17 =	rddreg [dreg:$0x7];
	[sflag:s7] =	ssyncadd.s32 $0xFFFFD800  }
0xc2: {  	[hbm4b:s17+s3] =	stream.linear.scatter [tilespmem:s30], [sflag:$0x5], $0x2800, $0x38;
	[tilespmem:$0x1F800] =	vst v63  }
0xc3: {  	_ =	swait.ge [sflag:s8], $0x2800  }
0xc4: {  	[sflag:s8] =	ssyncset.done $0x0  }
0xc5: {  	[sflag:s8] =	ssyncadd.s32 $0xFFFFD800  }
0xc6: {  	[tilespmem:s1], [sflag:$0x1] =	stream.linear.gather [spmem:s21], $0x2800, $0x38;
	[tilespmem:$0x1F800] =	vst v63  }
0xc7: {  	_ =	swait.ge [sflag:s5], $0x2800  }
0xc8: {  	[sflag:s5] =	ssyncset.done $0x0  }
0xc9: {  	s15 =	rddreg [dreg:$0x8];
	[sflag:s5] =	ssyncadd.s32 $0xFFFFD800  }
0xca: {  	[hbm4b:s15+s3] =	stream.linear.scatter [tilespmem:s1], [sflag:$0x4], $0x2800, $0x38;
	[tilespmem:$0x1F800] =	vst v63  }
0xcb: {  	_ =	swait.ge [sflag:s10], $0x2800  }
0xcc: {  	[sflag:s10] =	ssyncset.done $0x0  }
0xcd: {  	[sflag:s10] =	ssyncadd.s32 $0xFFFFD800  }
0xce: {  	[tilespmem:s30], [sflag:$0x2] =	stream.linear.gather [spmem:s22], $0x2800, $0x38;
	[tilespmem:$0x1F800] =	vst v63  }
0xcf: {  	_ =	swait.ge [sflag:s7], $0x2800  }
0xd0: {  	[sflag:s7] =	ssyncset.done $0x0  }
0xd1: {  	s16 =	rddreg [dreg:$0x9];
	[sflag:s7] =	ssyncadd.s32 $0xFFFFD800  }
0xd2: {  	[hbm4b:s16+s3] =	stream.linear.scatter [tilespmem:s30], [sflag:$0x5], $0x2800, $0x38;
	[tilespmem:$0x1F800] =	vst v63  }
0xd3: {  	_ =	swait.ge [sflag:s8], $0x2800  }
0xd4: {  	[sflag:s8] =	ssyncset.done $0x0  }
0xd5: {  	[sflag:s8] =	ssyncadd.s32 $0xFFFFD800  }
0xd6: {  	[tilespmem:s1], [sflag:$0x1] =	stream.linear.gather [spmem:s23], $0x2800, $0x38;
	[tilespmem:$0x1F800] =	vst v63  }
0xd7: {  	_ =	swait.ge [sflag:s5], $0x2800  }
0xd8: {  	[sflag:s5] =	ssyncset.done $0x0  }
0xd9: {  	s17 =	rddreg [dreg:$0xa];
	[sflag:s5] =	ssyncadd.s32 $0xFFFFD800  }
0xda: {  	[hbm4b:s17+s3] =	stream.linear.scatter [tilespmem:s1], [sflag:$0x4], $0x2800, $0x38;
	[tilespmem:$0x1F800] =	vst v63  }
0xdb: {  	_ =	swait.ge [sflag:s10], $0x2800  }
0xdc: {  	[sflag:s10] =	ssyncset.done $0x0  }
0xdd: {  	[sflag:s10] =	ssyncadd.s32 $0xFFFFD800  }
0xde: {  	[tilespmem:s30], [sflag:$0x2] =	stream.linear.gather [spmem:s24], $0x2800, $0x38;
	[tilespmem:$0x1F800] =	vst v63  }
0xdf: {  	_ =	swait.ge [sflag:s7], $0x2800  }
0xe0: {  	[sflag:s7] =	ssyncset.done $0x0  }
0xe1: {  	s15 =	rddreg [dreg:$0xb];
	[sflag:s7] =	ssyncadd.s32 $0xFFFFD800  }
0xe2: {  	[hbm4b:s15+s3] =	stream.linear.scatter [tilespmem:s30], [sflag:$0x5], $0x2800, $0x38;
	[tilespmem:$0x1F800] =	vst v63  }
0xe3: {  	_ =	swait.ge [sflag:s8], $0x2800  }
0xe4: {  	[sflag:s8] =	ssyncset.done $0x0  }
0xe5: {  	[sflag:s8] =	ssyncadd.s32 $0xFFFFD800  }
0xe6: {  	[tilespmem:s1], [sflag:$0x1] =	stream.linear.gather [spmem:s25], $0x2800, $0x38;
	[tilespmem:$0x1F800] =	vst v63  }
0xe7: {  	_ =	swait.ge [sflag:s5], $0x2800  }
0xe8: {  	[sflag:s5] =	ssyncset.done $0x0  }
0xe9: {  	s16 =	rddreg [dreg:$0xc];
	[sflag:s5] =	ssyncadd.s32 $0xFFFFD800  }
0xea: {  	[hbm4b:s16+s3] =	stream.linear.scatter [tilespmem:s1], [sflag:$0x4], $0x2800, $0x38;
	[tilespmem:$0x1F800] =	vst v63  }
0xeb: {  	_ =	swait.ge [sflag:s10], $0x2800  }
0xec: {  	[sflag:s10] =	ssyncset.done $0x0  }
0xed: {  	[sflag:s10] =	ssyncadd.s32 $0xFFFFD800  }
0xee: {  	[tilespmem:s30], [sflag:$0x2] =	stream.linear.gather [spmem:s26], $0x2800, $0x38;
	[tilespmem:$0x1F800] =	vst v63  }
0xef: {  	_ =	swait.ge [sflag:s7], $0x2800  }
0xf0: {  	[sflag:s7] =	ssyncset.done $0x0  }
0xf1: {  	s12 =	sadd.s32 $0x1, s12;
	s17 =	rddreg [dreg:$0xd];
	[sflag:s7] =	ssyncadd.s32 $0xFFFFD800  }
0xf2: {  	[hbm4b:s17+s3] =	stream.linear.scatter [tilespmem:s30], [sflag:$0x5], $0x2800, $0x38;
	[tilespmem:$0x1F800] =	vst v63  }
0xf3: {  	p0 =	sne.s32 s12, s28;
	_ =	swait.ge [sflag:s8], $0x2800  }
.Ltmp2:
0xf4: {  	[sflag:s8] =	ssyncset.done $0x0;
	(pc) =	sbr.rel @p0 .LBB2_1-.Ltmp2, $4  }
0xf5: {  	[sflag:s8] =	ssyncadd.s32 $0xFFFFD800  }
0xf6: {  	_ =	swait.ge [sflag:s10], $0x2800  }
0xf7: {  	[sflag:s10] =	ssyncset.done $0x0  }
0xf8: {  	[sflag:s10] =	ssyncadd.s32 $0xFFFFD800  }
0xf9: {  	_ =	sfence.sel $0x180000  }
0xfa: {  	[bflag:$0x0] =	sbarrier.arrive $0xFFFF  }
0xfb: {  	_ =	strace $0x90000047  }
0xfc: {  	s0 =	stileid.u32;
	[bflag:$0x2] =	sbarrier.arrive $0xFFFF  }
0xfd: {  	p0 =	sne.s32 s0, $0x0;
	s0 =	rddreg [dreg:$0x4]  }
0xfe: {  	s0 =	sadd.s32 @!p0 $0x100000, s0  }
0xff: {  	[sflag:s0] =	ssyncadd.tile.s32 @!p0 $0x1;
	_ =	shalt  }
.Lfunc_end2:
_tile_overlayer_lowered:
.L_overlay_start_2:
0x100: {  	(tag) =	ssettag $0x2  }
0x101: {  	s0 =	rddreg [dreg:$0x0];
	s2 =	stileid.u32  }
0x102: {  	s1 =	rddreg [dreg:$0x1];
	p0 =	sne.s32 s2, $0x0  }
0x103: {  	s3 =	rddreg [dreg:$0x2];
	[bflag:$0x3] =	sbarrier.arrive $0xFFFF;
	s2 =	simm.s32 @!p0 $0x1C09  }
0x104: {  	[timem:s3], [sflag:s2] =	dma.local @!p0 [hbm:s0], s1  }
0x105: {  	s0 =	simm.s32 @!p0 $0x9  }
0x106: {  	_ =	swait.ge @!p0 [sflag:s0], s1  }
0x107: {  	s1 =	ssub.s32 @!p0 $0x0, s1;
	[sflag:s0] =	ssyncset.done @!p0 $0x0  }
0x108: {  	[sflag:s0] =	ssyncadd.s32 @!p0 s1  }
0x109: {  	[bflag:$0x3] =	sbarrier.arrive $0xFFFF  }
0x10a: {  	_ =	shalt  }

</sc_bundles>
